<compile_context>
chip_gen: v7x
topology: tpu7x:2x2x1
jax: 0.10.2.dev20260603
libtpu: 0.0.44.dev20260713+nightly
codegen_flags: <defaults>
</compile_context>

<pallas_src>
import functools

import numpy as np

import jax
import jax.numpy as jnp
from jax import lax
from jax.experimental import pallas as pl
from jax.experimental.pallas import tpu as pltpu
from jax.experimental.pallas import tpu_sc as plsc

B = 16
D = 2048
NS = 100
K = 16
L = 16
NCHUNK = D // L
HALF_NS = NS // 2
NOISE_MAX_BOUND = 5.25
NEG_INF = np.float32(-np.inf)


def _sc_body(pert_hbm, xs_hbm, marg_hbm, ind_hbm, idx_hbm,
             xrow, pertrow, cand_idx, sel_idx, sel_gt, final_idx,
             acc, tmp, idxout, margv, sacc):
  _IOTA = lax.iota(jnp.int32, L)
  _ONES_F = jnp.full((L,), 1.0, dtype=jnp.float32)
  c = lax.axis_index("c")
  s = lax.axis_index("s")
  b = c * 8 + (s >> 1)
  half = s & 1
  bl = s >> 1

  pltpu.sync_copy(xs_hbm.at[pl.ds(b * D, D)], xrow)
  pltpu.sync_copy(marg_hbm, margv)

  def _tx_body(j, top_asc):
    ch = xrow[pl.ds(j * L, L)]
    cdesc = -lax.sort(-ch)
    return lax.sort(jnp.maximum(top_asc, cdesc))

  top_asc = lax.fori_loop(0, NCHUNK, _tx_body,
                          jnp.full((L,), NEG_INF, dtype=jnp.float32))
  taux = top_asc[0]
  thresh_vec = jnp.full((L,), taux, dtype=jnp.float32) - margv[...]

  def _cand_body(j, off):
    base = j * L
    ch = xrow[pl.ds(base, L)]
    idxv = _IOTA + base
    m = ch >= thresh_vec
    plsc.store_compressed(cand_idx.at[pl.ds(off, L)], idxv, mask=m)
    return off + plsc.all_reduce_population_count(m)[0]

  ncand = lax.fori_loop(0, NCHUNK, _cand_body, jnp.int32(0))
  nchunks = (ncand + (L - 1)) >> 4

  for r in range(K):
    @plsc.parallel_loop(0, D, step=L)
    def _zero(i, r=r):
      acc[r, pl.ds(i, L)] = jnp.zeros((L,), dtype=jnp.float32)

  def _sample(i, _):
    sg = half * HALF_NS + i
    pltpu.sync_copy(pert_hbm.at[pl.ds((b * NS + sg) * D, D)], pertrow)

    def _cand_chunk(j):
      base = j * L
      idxv = cand_idx[pl.ds(base, L)]
      valid = (_IOTA + base) < ncand
      idxs = jnp.where(valid, idxv, 0)
      g = plsc.load_gather(pertrow, [idxs])
      vals = jnp.where(valid, g, NEG_INF)
      return idxs, vals, valid

    def _pa(j, top):
      _, vals, _ = _cand_chunk(j)
      cdesc = -lax.sort(-vals)
      return lax.sort(jnp.maximum(top, cdesc))

    top = lax.fori_loop(0, nchunks, _pa,
                        jnp.full((L,), NEG_INF, dtype=jnp.float32))
    tauv = jnp.full((L,), top[0], dtype=jnp.float32)

    def _pb(j, carry):
      off2, ngt = carry
      idxs, vals, valid = _cand_chunk(j)
      mge = valid & (vals >= tauv)
      mgt = valid & (vals > tauv)
      plsc.store_compressed(sel_idx.at[pl.ds(off2, L)], idxs, mask=mge)
      plsc.store_compressed(sel_gt.at[pl.ds(off2, L)],
                            jnp.where(mgt, 1, 0).astype(jnp.int32), mask=mge)
      c_ge = plsc.all_reduce_population_count(mge)[0]
      c_gt = plsc.all_reduce_population_count(mgt)[0]
      return off2 + c_ge, ngt + c_gt

    nsel, ngt = lax.fori_loop(0, nchunks, _pb, (jnp.int32(0), jnp.int32(0)))

    budget = K - ngt
    mchunks = (nsel + (L - 1)) >> 4

    def _pc(j, carry):
      koff, runeq = carry
      base = j * L
      gtv = sel_gt[pl.ds(base, L)]
      idxv = sel_idx[pl.ds(base, L)]
      valid = (_IOTA + base) < nsel
      gtb = valid & (gtv == 1)
      iseq = valid & (gtv == 0)
      eqi = jnp.where(iseq, 1, 0).astype(jnp.int32)
      ceq = plsc.cumsum(eqi)
      rank = (ceq - eqi) + runeq
      keep = gtb | (iseq & (rank < budget))
      plsc.store_compressed(final_idx.at[pl.ds(koff, L)], idxv, mask=keep)
      kc = plsc.all_reduce_population_count(keep)[0]
      return koff + kc, runeq + ceq[L - 1]

    lax.fori_loop(0, mchunks, _pc, (jnp.int32(0), jnp.int32(0)))

    fvec = final_idx[pl.ds(0, L)]
    idxout[pl.ds(i * K, K)] = fvec
    plsc.addupdate_scatter(acc, [_IOTA, fvec], _ONES_F)
    return _

  lax.fori_loop(0, HALF_NS, _sample, jnp.int32(0))

  @pl.when(half == 1)
  def _():
    pltpu.sync_copy(acc, sacc.at[pl.ds(bl * K, K)])

  plsc.subcore_barrier()

  @pl.when(half == 0)
  def _():
    pltpu.sync_copy(sacc.at[pl.ds(bl * K, K)], tmp)
    for r in range(K):
      @plsc.parallel_loop(0, D, step=L)
      def _merge(i, r=r):
        acc[r, pl.ds(i, L)] = (
            (acc[r, pl.ds(i, L)] + tmp[r, pl.ds(i, L)]) * jnp.float32(1.0 / NS))
    pltpu.sync_copy(acc, ind_hbm.at[b])

  pltpu.sync_copy(
      idxout,
      idx_hbm.at[pl.ds((b * NS + half * HALF_NS) * K, HALF_NS * K)])


@functools.partial(
    pl.kernel,
    out_type=(
        jax.ShapeDtypeStruct((B, K, D), jnp.float32),
        jax.ShapeDtypeStruct((B * NS * K,), jnp.int32),
    ),
    mesh=plsc.VectorSubcoreMesh(core_axis_name="c", subcore_axis_name="s"),
    compiler_params=pltpu.CompilerParams(needs_layout_passes=False),
    scratch_types=[
        pltpu.VMEM((D,), jnp.float32),
        pltpu.VMEM((D,), jnp.float32),
        pltpu.VMEM((D + L,), jnp.int32),
        pltpu.VMEM((D + 2 * L,), jnp.int32),
        pltpu.VMEM((D + 2 * L,), jnp.int32),
        pltpu.VMEM((3 * L,), jnp.int32),
        pltpu.VMEM((K, D), jnp.float32),
        pltpu.VMEM((K, D), jnp.float32),
        pltpu.VMEM((HALF_NS * K,), jnp.int32),
        pltpu.VMEM((L,), jnp.float32),
        pltpu.VMEM_SHARED((8 * K, D), jnp.float32),
    ],
)
def _sc_topk(pert_hbm, xs_hbm, marg_hbm, ind_hbm, idx_hbm, *scratch):
  _sc_body(pert_hbm, xs_hbm, marg_hbm, ind_hbm, idx_hbm, *scratch)


def kernel(x, sigma):
  noise = jax.random.normal(jax.random.key(42), (B, NS, D), dtype=jnp.float32)
  perturbed_x = x[:, None, :] + noise * sigma
  marg = 2.0 * jnp.abs(sigma) * NOISE_MAX_BOUND + jnp.float32(1e-3)
  margv = jnp.full((L,), marg, dtype=jnp.float32)
  indicators, idx_flat = _sc_topk(perturbed_x.reshape(-1), x.reshape(-1),
                                  margv)
  return indicators, idx_flat.reshape(B, NS, K)

# --- scband reference (transcript-rebuilt; emitter-appended) ---
"""Pipeline reference for scband-perturbed-top-k-88407606821496 (READ-ONLY COPY).

The authoritative reference and input builder live on the scoring server;
editing this copy changes nothing except your own understanding.
"""

import jax, jax.numpy as jnp
import numpy as np

K = 16
NUM_SAMPLES = 100


def setup_inputs(seed: int = 0) -> dict:
    key = jax.random.key(seed)
    x = jax.random.normal(key, (16, 2048), dtype=jnp.float32)
    # sigma is a non-learned scalar forward argument (perturbation std)
    sigma = jnp.asarray(0.05, dtype=jnp.float32)
    return {"x": x, "sigma": sigma}


def reference(x, sigma):
    b, d = x.shape
    # torch.normal(mean=0, std=1, size=(b, num_samples, d))
    noise = jax.random.normal(jax.random.key(42), (b, NUM_SAMPLES, d), dtype=jnp.float32)
    perturbed_x = x[:, None, :] + noise * sigma  # (b, ns, d)
    # torch.topk(..., sorted=False) -> indices; jax.lax.top_k returns value-sorted,
    # but the torch code immediately sorts indices ascending, so order is identical.
    _, indices = jax.lax.top_k(perturbed_x, K)  # (b, ns, k)
    indices = jnp.sort(indices, axis=-1)
    perturbed_output = jax.nn.one_hot(indices, d, dtype=jnp.float32)  # (b, ns, k, d)
    indicators = perturbed_output.mean(axis=1)  # (b, k, d)
    return indicators, indices

if __name__ == "__main__":
    import jax
    _d = setup_inputs()
    print(jax.jit(kernel)(*tuple(_d.values())))

</pallas_src>

<mosaic_0001>
#map = affine_map<(d0, d1) -> (0)>
#map1 = affine_map<(d0, d1) -> (0, 0, 0)>
module attributes {stable_mosaic.version = 14 : i64} {
  func.func @_sc_topk(%arg0: i32, %arg1: i32, %arg2: memref<3276800xf32, #tpu.memory_space<hbm>>, %arg3: memref<32768xf32, #tpu.memory_space<hbm>>, %arg4: memref<16xf32, #tpu.memory_space<hbm>>, %arg5: memref<16x16x2048xf32, #tpu.memory_space<hbm>>, %arg6: memref<25600xi32, #tpu.memory_space<hbm>>, %arg7: memref<2048xf32, #tpu.memory_space<vmem>>, %arg8: memref<2048xf32, #tpu.memory_space<vmem>>, %arg9: memref<2064xi32, #tpu.memory_space<vmem>>, %arg10: memref<2080xi32, #tpu.memory_space<vmem>>, %arg11: memref<2080xi32, #tpu.memory_space<vmem>>, %arg12: memref<48xi32, #tpu.memory_space<vmem>>, %arg13: memref<16x2048xf32, #tpu.memory_space<vmem>>, %arg14: memref<16x2048xf32, #tpu.memory_space<vmem>>, %arg15: memref<800xi32, #tpu.memory_space<vmem>>, %arg16: memref<16xf32, #tpu.memory_space<vmem>>, %arg17: memref<128x2048xf32, #tpu.memory_space<vmem_shared>>) attributes {dimension_semantics = [#tpu.dimension_semantics<core_parallel>, #tpu.dimension_semantics<subcore_parallel>], iteration_bounds = array<i64: 2, 16>, scalar_prefetch = 0 : i64, scratch_operands = 11 : i64, tpu.core_type = #tpu.core_type<sc_vector_subcore>, window_params = [{transform_indices = #map}, {transform_indices = #map}, {transform_indices = #map}, {transform_indices = #map1}, {transform_indices = #map}]} {
    %iota3A = tpu.iota {dimensions = array<i32: 0>} : vector<16xi32>
    %broadcast_in_dim3A = arith.constant 1.000000e+00 : f32
    %broadcast_in_dim3A_0 = vector.broadcast %broadcast_in_dim3A : f32 to vector<16xf32>
    %mul3A = arith.constant 8 : i32
    %mul3A_1 = arith.muli %arg0, %mul3A : i32
    %shift_right_arithmetic3A = arith.constant 1 : i32
    %shift_right_arithmetic3A_2 = arith.shrsi %arg1, %shift_right_arithmetic3A : i32
    %add3A = arith.addi %mul3A_1, %shift_right_arithmetic3A_2 : i32
    %and3A = arith.constant 1 : i32
    %and3A_3 = arith.andi %arg1, %and3A : i32
    %shift_right_arithmetic3A_4 = arith.constant 1 : i32
    %shift_right_arithmetic3A_5 = arith.shrsi %arg1, %shift_right_arithmetic3A_4 : i32
    %mul3A_6 = arith.constant 2048 : i32
    %mul3A_7 = arith.muli %add3A, %mul3A_6 : i32
    "tpu.region"() ({
      %run_scoped3A = tpu.sem_alloc : memref<!tpu.dma_semaphore, #tpu.memory_space<semaphore_mem>>
      %dma_start3A = tpu.memref_slice %arg3[%mul3A_7] : memref<32768xf32, #tpu.memory_space<hbm>> -> memref<2048xf32, #tpu.memory_space<hbm>>
      %dma_start3A_95 = tpu.memref_slice %arg3[%mul3A_7] : memref<32768xf32, #tpu.memory_space<hbm>> -> memref<2048xf32, #tpu.memory_space<hbm>>
      tpu.enqueue_dma source(%dma_start3A_95 : memref<2048xf32, #tpu.memory_space<hbm>>) target(%arg7 : memref<2048xf32, #tpu.memory_space<vmem>>) target_semaphore(%run_scoped3A : memref<!tpu.dma_semaphore, #tpu.memory_space<semaphore_mem>>)
      %dma_wait3A = tpu.memref_slice %arg3[%mul3A_7] : memref<32768xf32, #tpu.memory_space<hbm>> -> memref<2048xf32, #tpu.memory_space<hbm>>
      %dma_wait3A_96 = tpu.memref_slice %arg3[%mul3A_7] : memref<32768xf32, #tpu.memory_space<hbm>> -> memref<2048xf32, #tpu.memory_space<hbm>>
      tpu.wait_dma2 semaphore(%run_scoped3A : memref<!tpu.dma_semaphore, #tpu.memory_space<semaphore_mem>>) src(%dma_wait3A_96 : memref<2048xf32, #tpu.memory_space<hbm>>) dst(%arg7 : memref<2048xf32, #tpu.memory_space<vmem>>)
      tpu.yield
    }) : () -> ()
    "tpu.region"() ({
      %run_scoped3A = tpu.sem_alloc : memref<!tpu.dma_semaphore, #tpu.memory_space<semaphore_mem>>
      tpu.enqueue_dma source(%arg4 : memref<16xf32, #tpu.memory_space<hbm>>) target(%arg16 : memref<16xf32, #tpu.memory_space<vmem>>) target_semaphore(%run_scoped3A : memref<!tpu.dma_semaphore, #tpu.memory_space<semaphore_mem>>)
      tpu.wait_dma2 semaphore(%run_scoped3A : memref<!tpu.dma_semaphore, #tpu.memory_space<semaphore_mem>>) src(%arg4 : memref<16xf32, #tpu.memory_space<hbm>>) dst(%arg16 : memref<16xf32, #tpu.memory_space<vmem>>)
      tpu.yield
    }) : () -> ()
    %broadcast_in_dim3A_8 = arith.constant 0xFF800000 : f32
    %broadcast_in_dim3A_9 = vector.broadcast %broadcast_in_dim3A_8 : f32 to vector<16xf32>
    %scan3A = arith.constant 0 : i32
    %scan3A_10 = arith.constant 128 : i32
    %scan3A_11 = arith.addi %scan3A, %scan3A_10 : i32
    %scan3A_12 = arith.constant 1 : i32
    %scan3A_13 = scf.for %scan3A_95 = %scan3A to %scan3A_11 step %scan3A_12 iter_args(%scan3A_96 = %broadcast_in_dim3A_9) -> (vector<16xf32>)  : i32 {
      %mul3A_97 = arith.constant 16 : i32
      %mul3A_98 = arith.muli %scan3A_95, %mul3A_97 : i32
      %get3A_99 = arith.index_cast %mul3A_98 : i32 to index
      %get3A_100 = tpu.vector_load %arg7[%get3A_99] {strides = array<i32>} : memref<2048xf32, #tpu.memory_space<vmem>>, vector<16xf32>,
      %neg3A = arith.constant 0.000000e+00 : f32
      %neg3A_101 = vector.broadcast %neg3A : f32 to vector<16xf32>
      %neg3A_102 = arith.subf %neg3A_101, %get3A_100 : vector<16xf32>
      %sort3A = arith.constant dense<true> : vector<16xi1>
      %sort3A_103, %sort3A_104, %sort3A_105 = tpu.sort %neg3A_102, %neg3A_102 masked %sort3A : (vector<16xf32>, vector<16xf32>, vector<16xi1>) -> (vector<16xi1>, vector<16xf32>, vector<16xf32>)
      %neg3A_106 = arith.constant 0.000000e+00 : f32
      %neg3A_107 = vector.broadcast %neg3A_106 : f32 to vector<16xf32>
      %neg3A_108 = arith.subf %neg3A_107, %sort3A_104 : vector<16xf32>
      %max3A = arith.maximumf %scan3A_96, %neg3A_108 : vector<16xf32>
      %sort3A_109 = arith.constant dense<true> : vector<16xi1>
      %sort3A_110, %sort3A_111, %sort3A_112 = tpu.sort %max3A, %max3A masked %sort3A_109 : (vector<16xf32>, vector<16xf32>, vector<16xi1>) -> (vector<16xi1>, vector<16xf32>, vector<16xf32>)
      scf.yield %sort3A_111 : vector<16xf32>
    }
    %scan3A_14 = arith.constant 128 : i32
    %slice3A = vector.extract_strided_slice %scan3A_13 {offsets = [0], sizes = [1], strides = [1]} : vector<16xf32> to vector<1xf32>
    %squeeze3A = vector.extract %slice3A[0] : f32 from vector<1xf32>
    %broadcast_in_dim3A_15 = vector.broadcast %squeeze3A : f32 to vector<16xf32>
    %get3A = arith.constant 0 : index
    %get3A_16 = tpu.vector_load %arg16[%get3A] {strides = array<i32>} : memref<16xf32, #tpu.memory_space<vmem>>, vector<16xf32>,
    %sub3A = arith.subf %broadcast_in_dim3A_15, %get3A_16 : vector<16xf32>
    %scan3A_17 = arith.constant 0 : i32
    %scan3A_18 = arith.constant 0 : i32
    %scan3A_19 = arith.constant 128 : i32
    %scan3A_20 = arith.addi %scan3A_18, %scan3A_19 : i32
    %scan3A_21 = arith.constant 1 : i32
    %scan3A_22 = scf.for %scan3A_95 = %scan3A_18 to %scan3A_20 step %scan3A_21 iter_args(%scan3A_96 = %scan3A_17) -> (i32)  : i32 {
      %mul3A_97 = arith.constant 16 : i32
      %mul3A_98 = arith.muli %scan3A_95, %mul3A_97 : i32
      %get3A_99 = arith.index_cast %mul3A_98 : i32 to index
      %get3A_100 = tpu.vector_load %arg7[%get3A_99] {strides = array<i32>} : memref<2048xf32, #tpu.memory_space<vmem>>, vector<16xf32>,
      %add3A_101 = vector.broadcast %mul3A_98 : i32 to vector<16xi32>
      %add3A_102 = arith.addi %iota3A, %add3A_101 : vector<16xi32>
      %ge3A = arith.cmpf oge, %get3A_100, %sub3A : vector<16xf32>
      %swap3A = arith.index_cast %scan3A_96 : i32 to index
      %swap3A_103 = tpu.vector_load %arg9[%swap3A] masked %ge3A {strides = array<i32>} : memref<2064xi32, #tpu.memory_space<vmem>>, vector<16xi32>, vector<16xi1>
      tpu.vector_store %arg9[%swap3A], %add3A_102 masked %ge3A {strides = array<i32>} : memref<2064xi32, #tpu.memory_space<vmem>>, vector<16xi32>, vector<16xi1>
      %all_reduce_population_count3A = tpu.all_reduce %ge3A {dim = 0 : i64, kind = #tpu.reduction_kind<sum>} : vector<16xi1> -> vector<16xi32>
      %slice3A_104 = vector.extract_strided_slice %all_reduce_population_count3A {offsets = [0], sizes = [1], strides = [1]} : vector<16xi32> to vector<1xi32>
      %squeeze3A_105 = vector.extract %slice3A_104[0] : i32 from vector<1xi32>
      %add3A_106 = arith.addi %scan3A_96, %squeeze3A_105 : i32
      scf.yield %add3A_106 : i32
    }
    %scan3A_23 = arith.constant 128 : i32
    %add3A_24 = arith.constant 15 : i32
    %add3A_25 = arith.addi %scan3A_22, %add3A_24 : i32
    %shift_right_arithmetic3A_26 = arith.constant 4 : i32
    %shift_right_arithmetic3A_27 = arith.shrsi %add3A_25, %shift_right_arithmetic3A_26 : i32
    %parallel_loop3A = arith.constant 0 : i32
    %parallel_loop3A_28 = arith.constant 2048 : i32
    %parallel_loop3A_29 = arith.constant 16 : i32
    scf.for %parallel_loop3A_95 = %parallel_loop3A to %parallel_loop3A_28 step %parallel_loop3A_29  : i32 {
      %parallel_loop3A_96 = arith.constant 0.000000e+00 : f32
      %parallel_loop3A_97 = vector.broadcast %parallel_loop3A_96 : f32 to vector<16xf32>
      %parallel_loop3A_98 = arith.constant 0 : i32
      %parallel_loop3A_99 = arith.index_cast %parallel_loop3A_98 : i32 to index
      %parallel_loop3A_100 = arith.index_cast %parallel_loop3A_95 : i32 to index
      %parallel_loop3A_101 = tpu.vector_load %arg13[%parallel_loop3A_99, %parallel_loop3A_100] {strides = array<i32>} : memref<16x2048xf32, #tpu.memory_space<vmem>>, vector<16xf32>,
      tpu.vector_store %arg13[%parallel_loop3A_99, %parallel_loop3A_100], %parallel_loop3A_97 {strides = array<i32>} : memref<16x2048xf32, #tpu.memory_space<vmem>>, vector<16xf32>,
    } {sc.loop_unroll_factor = 1 : i64, sc.parallel_access}
    %parallel_loop3A_30 = arith.constant 0 : i32
    %parallel_loop3A_31 = arith.constant 2048 : i32
    %parallel_loop3A_32 = arith.constant 16 : i32
    scf.for %parallel_loop3A_95 = %parallel_loop3A_30 to %parallel_loop3A_31 step %parallel_loop3A_32  : i32 {
      %parallel_loop3A_96 = arith.constant 0.000000e+00 : f32
      %parallel_loop3A_97 = vector.broadcast %parallel_loop3A_96 : f32 to vector<16xf32>
      %parallel_loop3A_98 = arith.constant 1 : i32
      %parallel_loop3A_99 = arith.index_cast %parallel_loop3A_98 : i32 to index
      %parallel_loop3A_100 = arith.index_cast %parallel_loop3A_95 : i32 to index
      %parallel_loop3A_101 = tpu.vector_load %arg13[%parallel_loop3A_99, %parallel_loop3A_100] {strides = array<i32>} : memref<16x2048xf32, #tpu.memory_space<vmem>>, vector<16xf32>,
      tpu.vector_store %arg13[%parallel_loop3A_99, %parallel_loop3A_100], %parallel_loop3A_97 {strides = array<i32>} : memref<16x2048xf32, #tpu.memory_space<vmem>>, vector<16xf32>,
    } {sc.loop_unroll_factor = 1 : i64, sc.parallel_access}
    %parallel_loop3A_33 = arith.constant 0 : i32
    %parallel_loop3A_34 = arith.constant 2048 : i32
    %parallel_loop3A_35 = arith.constant 16 : i32
    scf.for %parallel_loop3A_95 = %parallel_loop3A_33 to %parallel_loop3A_34 step %parallel_loop3A_35  : i32 {
      %parallel_loop3A_96 = arith.constant 0.000000e+00 : f32
      %parallel_loop3A_97 = vector.broadcast %parallel_loop3A_96 : f32 to vector<16xf32>
      %parallel_loop3A_98 = arith.constant 2 : i32
      %parallel_loop3A_99 = arith.index_cast %parallel_loop3A_98 : i32 to index
      %parallel_loop3A_100 = arith.index_cast %parallel_loop3A_95 : i32 to index
      %parallel_loop3A_101 = tpu.vector_load %arg13[%parallel_loop3A_99, %parallel_loop3A_100] {strides = array<i32>} : memref<16x2048xf32, #tpu.memory_space<vmem>>, vector<16xf32>,
      tpu.vector_store %arg13[%parallel_loop3A_99, %parallel_loop3A_100], %parallel_loop3A_97 {strides = array<i32>} : memref<16x2048xf32, #tpu.memory_space<vmem>>, vector<16xf32>,
    } {sc.loop_unroll_factor = 1 : i64, sc.parallel_access}
    %parallel_loop3A_36 = arith.constant 0 : i32
    %parallel_loop3A_37 = arith.constant 2048 : i32
    %parallel_loop3A_38 = arith.constant 16 : i32
    scf.for %parallel_loop3A_95 = %parallel_loop3A_36 to %parallel_loop3A_37 step %parallel_loop3A_38  : i32 {
      %parallel_loop3A_96 = arith.constant 0.000000e+00 : f32
      %parallel_loop3A_97 = vector.broadcast %parallel_loop3A_96 : f32 to vector<16xf32>
      %parallel_loop3A_98 = arith.constant 3 : i32
      %parallel_loop3A_99 = arith.index_cast %parallel_loop3A_98 : i32 to index
      %parallel_loop3A_100 = arith.index_cast %parallel_loop3A_95 : i32 to index
      %parallel_loop3A_101 = tpu.vector_load %arg13[%parallel_loop3A_99, %parallel_loop3A_100] {strides = array<i32>} : memref<16x2048xf32, #tpu.memory_space<vmem>>, vector<16xf32>,
      tpu.vector_store %arg13[%parallel_loop3A_99, %parallel_loop3A_100], %parallel_loop3A_97 {strides = array<i32>} : memref<16x2048xf32, #tpu.memory_space<vmem>>, vector<16xf32>,
    } {sc.loop_unroll_factor = 1 : i64, sc.parallel_access}
    %parallel_loop3A_39 = arith.constant 0 : i32
    %parallel_loop3A_40 = arith.constant 2048 : i32
    %parallel_loop3A_41 = arith.constant 16 : i32
    scf.for %parallel_loop3A_95 = %parallel_loop3A_39 to %parallel_loop3A_40 step %parallel_loop3A_41  : i32 {
      %parallel_loop3A_96 = arith.constant 0.000000e+00 : f32
      %parallel_loop3A_97 = vector.broadcast %parallel_loop3A_96 : f32 to vector<16xf32>
      %parallel_loop3A_98 = arith.constant 4 : i32
      %parallel_loop3A_99 = arith.index_cast %parallel_loop3A_98 : i32 to index
      %parallel_loop3A_100 = arith.index_cast %parallel_loop3A_95 : i32 to index
      %parallel_loop3A_101 = tpu.vector_load %arg13[%parallel_loop3A_99, %parallel_loop3A_100] {strides = array<i32>} : memref<16x2048xf32, #tpu.memory_space<vmem>>, vector<16xf32>,
      tpu.vector_store %arg13[%parallel_loop3A_99, %parallel_loop3A_100], %parallel_loop3A_97 {strides = array<i32>} : memref<16x2048xf32, #tpu.memory_space<vmem>>, vector<16xf32>,
    } {sc.loop_unroll_factor = 1 : i64, sc.parallel_access}
    %parallel_loop3A_42 = arith.constant 0 : i32
    %parallel_loop3A_43 = arith.constant 2048 : i32
    %parallel_loop3A_44 = arith.constant 16 : i32
    scf.for %parallel_loop3A_95 = %parallel_loop3A_42 to %parallel_loop3A_43 step %parallel_loop3A_44  : i32 {
      %parallel_loop3A_96 = arith.constant 0.000000e+00 : f32
      %parallel_loop3A_97 = vector.broadcast %parallel_loop3A_96 : f32 to vector<16xf32>
      %parallel_loop3A_98 = arith.constant 5 : i32
      %parallel_loop3A_99 = arith.index_cast %parallel_loop3A_98 : i32 to index
      %parallel_loop3A_100 = arith.index_cast %parallel_loop3A_95 : i32 to index
      %parallel_loop3A_101 = tpu.vector_load %arg13[%parallel_loop3A_99, %parallel_loop3A_100] {strides = array<i32>} : memref<16x2048xf32, #tpu.memory_space<vmem>>, vector<16xf32>,
      tpu.vector_store %arg13[%parallel_loop3A_99, %parallel_loop3A_100], %parallel_loop3A_97 {strides = array<i32>} : memref<16x2048xf32, #tpu.memory_space<vmem>>, vector<16xf32>,
    } {sc.loop_unroll_factor = 1 : i64, sc.parallel_access}
    %parallel_loop3A_45 = arith.constant 0 : i32
    %parallel_loop3A_46 = arith.constant 2048 : i32
    %parallel_loop3A_47 = arith.constant 16 : i32
    scf.for %parallel_loop3A_95 = %parallel_loop3A_45 to %parallel_loop3A_46 step %parallel_loop3A_47  : i32 {
      %parallel_loop3A_96 = arith.constant 0.000000e+00 : f32
      %parallel_loop3A_97 = vector.broadcast %parallel_loop3A_96 : f32 to vector<16xf32>
      %parallel_loop3A_98 = arith.constant 6 : i32
      %parallel_loop3A_99 = arith.index_cast %parallel_loop3A_98 : i32 to index
      %parallel_loop3A_100 = arith.index_cast %parallel_loop3A_95 : i32 to index
      %parallel_loop3A_101 = tpu.vector_load %arg13[%parallel_loop3A_99, %parallel_loop3A_100] {strides = array<i32>} : memref<16x2048xf32, #tpu.memory_space<vmem>>, vector<16xf32>,
      tpu.vector_store %arg13[%parallel_loop3A_99, %parallel_loop3A_100], %parallel_loop3A_97 {strides = array<i32>} : memref<16x2048xf32, #tpu.memory_space<vmem>>, vector<16xf32>,
    } {sc.loop_unroll_factor = 1 : i64, sc.parallel_access}
    %parallel_loop3A_48 = arith.constant 0 : i32
    %parallel_loop3A_49 = arith.constant 2048 : i32
    %parallel_loop3A_50 = arith.constant 16 : i32
    scf.for %parallel_loop3A_95 = %parallel_loop3A_48 to %parallel_loop3A_49 step %parallel_loop3A_50  : i32 {
      %parallel_loop3A_96 = arith.constant 0.000000e+00 : f32
      %parallel_loop3A_97 = vector.broadcast %parallel_loop3A_96 : f32 to vector<16xf32>
      %parallel_loop3A_98 = arith.constant 7 : i32
      %parallel_loop3A_99 = arith.index_cast %parallel_loop3A_98 : i32 to index
      %parallel_loop3A_100 = arith.index_cast %parallel_loop3A_95 : i32 to index
      %parallel_loop3A_101 = tpu.vector_load %arg13[%parallel_loop3A_99, %parallel_loop3A_100] {strides = array<i32>} : memref<16x2048xf32, #tpu.memory_space<vmem>>, vector<16xf32>,
      tpu.vector_store %arg13[%parallel_loop3A_99, %parallel_loop3A_100], %parallel_loop3A_97 {strides = array<i32>} : memref<16x2048xf32, #tpu.memory_space<vmem>>, vector<16xf32>,
    } {sc.loop_unroll_factor = 1 : i64, sc.parallel_access}
    %parallel_loop3A_51 = arith.constant 0 : i32
    %parallel_loop3A_52 = arith.constant 2048 : i32
    %parallel_loop3A_53 = arith.constant 16 : i32
    scf.for %parallel_loop3A_95 = %parallel_loop3A_51 to %parallel_loop3A_52 step %parallel_loop3A_53  : i32 {
      %parallel_loop3A_96 = arith.constant 0.000000e+00 : f32
      %parallel_loop3A_97 = vector.broadcast %parallel_loop3A_96 : f32 to vector<16xf32>
      %parallel_loop3A_98 = arith.constant 8 : i32
      %parallel_loop3A_99 = arith.index_cast %parallel_loop3A_98 : i32 to index
      %parallel_loop3A_100 = arith.index_cast %parallel_loop3A_95 : i32 to index
      %parallel_loop3A_101 = tpu.vector_load %arg13[%parallel_loop3A_99, %parallel_loop3A_100] {strides = array<i32>} : memref<16x2048xf32, #tpu.memory_space<vmem>>, vector<16xf32>,
      tpu.vector_store %arg13[%parallel_loop3A_99, %parallel_loop3A_100], %parallel_loop3A_97 {strides = array<i32>} : memref<16x2048xf32, #tpu.memory_space<vmem>>, vector<16xf32>,
    } {sc.loop_unroll_factor = 1 : i64, sc.parallel_access}
    %parallel_loop3A_54 = arith.constant 0 : i32
    %parallel_loop3A_55 = arith.constant 2048 : i32
    %parallel_loop3A_56 = arith.constant 16 : i32
    scf.for %parallel_loop3A_95 = %parallel_loop3A_54 to %parallel_loop3A_55 step %parallel_loop3A_56  : i32 {
      %parallel_loop3A_96 = arith.constant 0.000000e+00 : f32
      %parallel_loop3A_97 = vector.broadcast %parallel_loop3A_96 : f32 to vector<16xf32>
      %parallel_loop3A_98 = arith.constant 9 : i32
      %parallel_loop3A_99 = arith.index_cast %parallel_loop3A_98 : i32 to index
      %parallel_loop3A_100 = arith.index_cast %parallel_loop3A_95 : i32 to index
      %parallel_loop3A_101 = tpu.vector_load %arg13[%parallel_loop3A_99, %parallel_loop3A_100] {strides = array<i32>} : memref<16x2048xf32, #tpu.memory_space<vmem>>, vector<16xf32>,
      tpu.vector_store %arg13[%parallel_loop3A_99, %parallel_loop3A_100], %parallel_loop3A_97 {strides = array<i32>} : memref<16x2048xf32, #tpu.memory_space<vmem>>, vector<16xf32>,
    } {sc.loop_unroll_factor = 1 : i64, sc.parallel_access}
    %parallel_loop3A_57 = arith.constant 0 : i32
    %parallel_loop3A_58 = arith.constant 2048 : i32
    %parallel_loop3A_59 = arith.constant 16 : i32
    scf.for %parallel_loop3A_95 = %parallel_loop3A_57 to %parallel_loop3A_58 step %parallel_loop3A_59  : i32 {
      %parallel_loop3A_96 = arith.constant 0.000000e+00 : f32
      %parallel_loop3A_97 = vector.broadcast %parallel_loop3A_96 : f32 to vector<16xf32>
      %parallel_loop3A_98 = arith.constant 10 : i32
      %parallel_loop3A_99 = arith.index_cast %parallel_loop3A_98 : i32 to index
      %parallel_loop3A_100 = arith.index_cast %parallel_loop3A_95 : i32 to index
      %parallel_loop3A_101 = tpu.vector_load %arg13[%parallel_loop3A_99, %parallel_loop3A_100] {strides = array<i32>} : memref<16x2048xf32, #tpu.memory_space<vmem>>, vector<16xf32>,
      tpu.vector_store %arg13[%parallel_loop3A_99, %parallel_loop3A_100], %parallel_loop3A_97 {strides = array<i32>} : memref<16x2048xf32, #tpu.memory_space<vmem>>, vector<16xf32>,
    } {sc.loop_unroll_factor = 1 : i64, sc.parallel_access}
    %parallel_loop3A_60 = arith.constant 0 : i32
    %parallel_loop3A_61 = arith.constant 2048 : i32
    %parallel_loop3A_62 = arith.constant 16 : i32
    scf.for %parallel_loop3A_95 = %parallel_loop3A_60 to %parallel_loop3A_61 step %parallel_loop3A_62  : i32 {
      %parallel_loop3A_96 = arith.constant 0.000000e+00 : f32
      %parallel_loop3A_97 = vector.broadcast %parallel_loop3A_96 : f32 to vector<16xf32>
      %parallel_loop3A_98 = arith.constant 11 : i32
      %parallel_loop3A_99 = arith.index_cast %parallel_loop3A_98 : i32 to index
      %parallel_loop3A_100 = arith.index_cast %parallel_loop3A_95 : i32 to index
      %parallel_loop3A_101 = tpu.vector_load %arg13[%parallel_loop3A_99, %parallel_loop3A_100] {strides = array<i32>} : memref<16x2048xf32, #tpu.memory_space<vmem>>, vector<16xf32>,
      tpu.vector_store %arg13[%parallel_loop3A_99, %parallel_loop3A_100], %parallel_loop3A_97 {strides = array<i32>} : memref<16x2048xf32, #tpu.memory_space<vmem>>, vector<16xf32>,
    } {sc.loop_unroll_factor = 1 : i64, sc.parallel_access}
    %parallel_loop3A_63 = arith.constant 0 : i32
    %parallel_loop3A_64 = arith.constant 2048 : i32
    %parallel_loop3A_65 = arith.constant 16 : i32
    scf.for %parallel_loop3A_95 = %parallel_loop3A_63 to %parallel_loop3A_64 step %parallel_loop3A_65  : i32 {
      %parallel_loop3A_96 = arith.constant 0.000000e+00 : f32
      %parallel_loop3A_97 = vector.broadcast %parallel_loop3A_96 : f32 to vector<16xf32>
      %parallel_loop3A_98 = arith.constant 12 : i32
      %parallel_loop3A_99 = arith.index_cast %parallel_loop3A_98 : i32 to index
      %parallel_loop3A_100 = arith.index_cast %parallel_loop3A_95 : i32 to index
      %parallel_loop3A_101 = tpu.vector_load %arg13[%parallel_loop3A_99, %parallel_loop3A_100] {strides = array<i32>} : memref<16x2048xf32, #tpu.memory_space<vmem>>, vector<16xf32>,
      tpu.vector_store %arg13[%parallel_loop3A_99, %parallel_loop3A_100], %parallel_loop3A_97 {strides = array<i32>} : memref<16x2048xf32, #tpu.memory_space<vmem>>, vector<16xf32>,
    } {sc.loop_unroll_factor = 1 : i64, sc.parallel_access}
    %parallel_loop3A_66 = arith.constant 0 : i32
    %parallel_loop3A_67 = arith.constant 2048 : i32
    %parallel_loop3A_68 = arith.constant 16 : i32
    scf.for %parallel_loop3A_95 = %parallel_loop3A_66 to %parallel_loop3A_67 step %parallel_loop3A_68  : i32 {
      %parallel_loop3A_96 = arith.constant 0.000000e+00 : f32
      %parallel_loop3A_97 = vector.broadcast %parallel_loop3A_96 : f32 to vector<16xf32>
      %parallel_loop3A_98 = arith.constant 13 : i32
      %parallel_loop3A_99 = arith.index_cast %parallel_loop3A_98 : i32 to index
      %parallel_loop3A_100 = arith.index_cast %parallel_loop3A_95 : i32 to index
      %parallel_loop3A_101 = tpu.vector_load %arg13[%parallel_loop3A_99, %parallel_loop3A_100] {strides = array<i32>} : memref<16x2048xf32, #tpu.memory_space<vmem>>, vector<16xf32>,
      tpu.vector_store %arg13[%parallel_loop3A_99, %parallel_loop3A_100], %parallel_loop3A_97 {strides = array<i32>} : memref<16x2048xf32, #tpu.memory_space<vmem>>, vector<16xf32>,
    } {sc.loop_unroll_factor = 1 : i64, sc.parallel_access}
    %parallel_loop3A_69 = arith.constant 0 : i32
    %parallel_loop3A_70 = arith.constant 2048 : i32
    %parallel_loop3A_71 = arith.constant 16 : i32
    scf.for %parallel_loop3A_95 = %parallel_loop3A_69 to %parallel_loop3A_70 step %parallel_loop3A_71  : i32 {
      %parallel_loop3A_96 = arith.constant 0.000000e+00 : f32
      %parallel_loop3A_97 = vector.broadcast %parallel_loop3A_96 : f32 to vector<16xf32>
      %parallel_loop3A_98 = arith.constant 14 : i32
      %parallel_loop3A_99 = arith.index_cast %parallel_loop3A_98 : i32 to index
      %parallel_loop3A_100 = arith.index_cast %parallel_loop3A_95 : i32 to index
      %parallel_loop3A_101 = tpu.vector_load %arg13[%parallel_loop3A_99, %parallel_loop3A_100] {strides = array<i32>} : memref<16x2048xf32, #tpu.memory_space<vmem>>, vector<16xf32>,
      tpu.vector_store %arg13[%parallel_loop3A_99, %parallel_loop3A_100], %parallel_loop3A_97 {strides = array<i32>} : memref<16x2048xf32, #tpu.memory_space<vmem>>, vector<16xf32>,
    } {sc.loop_unroll_factor = 1 : i64, sc.parallel_access}
    %parallel_loop3A_72 = arith.constant 0 : i32
    %parallel_loop3A_73 = arith.constant 2048 : i32
    %parallel_loop3A_74 = arith.constant 16 : i32
    scf.for %parallel_loop3A_95 = %parallel_loop3A_72 to %parallel_loop3A_73 step %parallel_loop3A_74  : i32 {
      %parallel_loop3A_96 = arith.constant 0.000000e+00 : f32
      %parallel_loop3A_97 = vector.broadcast %parallel_loop3A_96 : f32 to vector<16xf32>
      %parallel_loop3A_98 = arith.constant 15 : i32
      %parallel_loop3A_99 = arith.index_cast %parallel_loop3A_98 : i32 to index
      %parallel_loop3A_100 = arith.index_cast %parallel_loop3A_95 : i32 to index
      %parallel_loop3A_101 = tpu.vector_load %arg13[%parallel_loop3A_99, %parallel_loop3A_100] {strides = array<i32>} : memref<16x2048xf32, #tpu.memory_space<vmem>>, vector<16xf32>,
      tpu.vector_store %arg13[%parallel_loop3A_99, %parallel_loop3A_100], %parallel_loop3A_97 {strides = array<i32>} : memref<16x2048xf32, #tpu.memory_space<vmem>>, vector<16xf32>,
    } {sc.loop_unroll_factor = 1 : i64, sc.parallel_access}
    %scan3A_75 = arith.constant 0 : i32
    %scan3A_76 = arith.constant 0 : i32
    %scan3A_77 = arith.constant 50 : i32
    %scan3A_78 = arith.addi %scan3A_76, %scan3A_77 : i32
    %scan3A_79 = arith.constant 1 : i32
    scf.for %scan3A_95 = %scan3A_76 to %scan3A_78 step %scan3A_79  : i32 {
      %mul3A_96 = arith.constant 50 : i32
      %mul3A_97 = arith.muli %and3A_3, %mul3A_96 : i32
      %add3A_98 = arith.addi %mul3A_97, %scan3A_95 : i32
      %mul3A_99 = arith.constant 100 : i32
      %mul3A_100 = arith.muli %add3A, %mul3A_99 : i32
      %add3A_101 = arith.addi %mul3A_100, %add3A_98 : i32
      %mul3A_102 = arith.constant 2048 : i32
      %mul3A_103 = arith.muli %add3A_101, %mul3A_102 : i32
      "tpu.region"() ({
        %run_scoped3A = tpu.sem_alloc : memref<!tpu.dma_semaphore, #tpu.memory_space<semaphore_mem>>
        %dma_start3A = tpu.memref_slice %arg2[%mul3A_103] : memref<3276800xf32, #tpu.memory_space<hbm>> -> memref<2048xf32, #tpu.memory_space<hbm>>
        %dma_start3A_156 = tpu.memref_slice %arg2[%mul3A_103] : memref<3276800xf32, #tpu.memory_space<hbm>> -> memref<2048xf32, #tpu.memory_space<hbm>>
        tpu.enqueue_dma source(%dma_start3A_156 : memref<2048xf32, #tpu.memory_space<hbm>>) target(%arg8 : memref<2048xf32, #tpu.memory_space<vmem>>) target_semaphore(%run_scoped3A : memref<!tpu.dma_semaphore, #tpu.memory_space<semaphore_mem>>)
        %dma_wait3A = tpu.memref_slice %arg2[%mul3A_103] : memref<3276800xf32, #tpu.memory_space<hbm>> -> memref<2048xf32, #tpu.memory_space<hbm>>
        %dma_wait3A_157 = tpu.memref_slice %arg2[%mul3A_103] : memref<3276800xf32, #tpu.memory_space<hbm>> -> memref<2048xf32, #tpu.memory_space<hbm>>
        tpu.wait_dma2 semaphore(%run_scoped3A : memref<!tpu.dma_semaphore, #tpu.memory_space<semaphore_mem>>) src(%dma_wait3A_157 : memref<2048xf32, #tpu.memory_space<hbm>>) dst(%arg8 : memref<2048xf32, #tpu.memory_space<vmem>>)
        tpu.yield
      }) : () -> ()
      %broadcast_in_dim3A_104 = arith.constant 0xFF800000 : f32
      %broadcast_in_dim3A_105 = vector.broadcast %broadcast_in_dim3A_104 : f32 to vector<16xf32>
      %while3A = arith.constant 0 : i32
      %while3A_106 = arith.subi %shift_right_arithmetic3A_27, %while3A : i32
      %while3A_107 = arith.addi %while3A, %while3A_106 : i32
      %while3A_108 = arith.constant 1 : i32
      %while3A_109 = arith.divsi %while3A_106, %while3A_108 : i32
      %while3A_110 = arith.muli %while3A_109, %while3A_108 : i32
      %while3A_111 = arith.addi %while3A, %while3A_110 : i32
      %while3A_112 = arith.constant 1 : i32
      %while3A_113 = scf.for %while3A_156 = %while3A to %while3A_111 step %while3A_112 iter_args(%while3A_157 = %broadcast_in_dim3A_105) -> (vector<16xf32>)  : i32 {
        %mul3A_158 = arith.constant 16 : i32
        %mul3A_159 = arith.muli %while3A_156, %mul3A_158 : i32
        %get3A_160 = arith.index_cast %mul3A_159 : i32 to index
        %get3A_161 = tpu.vector_load %arg9[%get3A_160] {strides = array<i32>} : memref<2064xi32, #tpu.memory_space<vmem>>, vector<16xi32>,
        %add3A_162 = vector.broadcast %mul3A_159 : i32 to vector<16xi32>
        %add3A_163 = arith.addi %iota3A, %add3A_162 : vector<16xi32>
        %lt3A = vector.broadcast %scan3A_22 : i32 to vector<16xi32>
        %lt3A_164 = arith.cmpi slt, %add3A_163, %lt3A : vector<16xi32>
        %jit3A = arith.constant 0 : i32
        %broadcast_in_dim3A_165 = vector.broadcast %jit3A : i32 to vector<16xi32>
        %select_n3A = arith.select %lt3A_164, %get3A_161, %broadcast_in_dim3A_165 : vector<16xi1>, vector<16xi32>
        %gather3A = tpu.vector_load_idx %arg8[%select_n3A] : memref<2048xf32, #tpu.memory_space<vmem>>[vector<16xi32>], vector<16xf32>,
        %jit3A_166 = arith.constant 0xFF800000 : f32
        %broadcast_in_dim3A_167 = vector.broadcast %jit3A_166 : f32 to vector<16xf32>
        %select_n3A_168 = arith.select %lt3A_164, %gather3A, %broadcast_in_dim3A_167 : vector<16xi1>, vector<16xf32>
        %neg3A = arith.constant 0.000000e+00 : f32
        %neg3A_169 = vector.broadcast %neg3A : f32 to vector<16xf32>
        %neg3A_170 = arith.subf %neg3A_169, %select_n3A_168 : vector<16xf32>
        %sort3A = arith.constant dense<true> : vector<16xi1>
        %sort3A_171, %sort3A_172, %sort3A_173 = tpu.sort %neg3A_170, %neg3A_170 masked %sort3A : (vector<16xf32>, vector<16xf32>, vector<16xi1>) -> (vector<16xi1>, vector<16xf32>, vector<16xf32>)
        %neg3A_174 = arith.constant 0.000000e+00 : f32
        %neg3A_175 = vector.broadcast %neg3A_174 : f32 to vector<16xf32>
        %neg3A_176 = arith.subf %neg3A_175, %sort3A_172 : vector<16xf32>
        %max3A = arith.maximumf %while3A_157, %neg3A_176 : vector<16xf32>
        %sort3A_177 = arith.constant dense<true> : vector<16xi1>
        %sort3A_178, %sort3A_179, %sort3A_180 = tpu.sort %max3A, %max3A masked %sort3A_177 : (vector<16xf32>, vector<16xf32>, vector<16xi1>) -> (vector<16xi1>, vector<16xf32>, vector<16xf32>)
        scf.yield %sort3A_179 : vector<16xf32>
      }
      %while3A_114 = arith.constant 1 : i32
      %while3A_115 = scf.for %while3A_156 = %while3A_111 to %while3A_107 step %while3A_114 iter_args(%while3A_157 = %while3A_113) -> (vector<16xf32>)  : i32 {
        %mul3A_158 = arith.constant 16 : i32
        %mul3A_159 = arith.muli %while3A_156, %mul3A_158 : i32
        %get3A_160 = arith.index_cast %mul3A_159 : i32 to index
        %get3A_161 = tpu.vector_load %arg9[%get3A_160] {strides = array<i32>} : memref<2064xi32, #tpu.memory_space<vmem>>, vector<16xi32>,
        %add3A_162 = vector.broadcast %mul3A_159 : i32 to vector<16xi32>
        %add3A_163 = arith.addi %iota3A, %add3A_162 : vector<16xi32>
        %lt3A = vector.broadcast %scan3A_22 : i32 to vector<16xi32>
        %lt3A_164 = arith.cmpi slt, %add3A_163, %lt3A : vector<16xi32>
        %jit3A = arith.constant 0 : i32
        %broadcast_in_dim3A_165 = vector.broadcast %jit3A : i32 to vector<16xi32>
        %select_n3A = arith.select %lt3A_164, %get3A_161, %broadcast_in_dim3A_165 : vector<16xi1>, vector<16xi32>
        %gather3A = tpu.vector_load_idx %arg8[%select_n3A] : memref<2048xf32, #tpu.memory_space<vmem>>[vector<16xi32>], vector<16xf32>,
        %jit3A_166 = arith.constant 0xFF800000 : f32
        %broadcast_in_dim3A_167 = vector.broadcast %jit3A_166 : f32 to vector<16xf32>
        %select_n3A_168 = arith.select %lt3A_164, %gather3A, %broadcast_in_dim3A_167 : vector<16xi1>, vector<16xf32>
        %neg3A = arith.constant 0.000000e+00 : f32
        %neg3A_169 = vector.broadcast %neg3A : f32 to vector<16xf32>
        %neg3A_170 = arith.subf %neg3A_169, %select_n3A_168 : vector<16xf32>
        %sort3A = arith.constant dense<true> : vector<16xi1>
        %sort3A_171, %sort3A_172, %sort3A_173 = tpu.sort %neg3A_170, %neg3A_170 masked %sort3A : (vector<16xf32>, vector<16xf32>, vector<16xi1>) -> (vector<16xi1>, vector<16xf32>, vector<16xf32>)
        %neg3A_174 = arith.constant 0.000000e+00 : f32
        %neg3A_175 = vector.broadcast %neg3A_174 : f32 to vector<16xf32>
        %neg3A_176 = arith.subf %neg3A_175, %sort3A_172 : vector<16xf32>
        %max3A = arith.maximumf %while3A_157, %neg3A_176 : vector<16xf32>
        %sort3A_177 = arith.constant dense<true> : vector<16xi1>
        %sort3A_178, %sort3A_179, %sort3A_180 = tpu.sort %max3A, %max3A masked %sort3A_177 : (vector<16xf32>, vector<16xf32>, vector<16xi1>) -> (vector<16xi1>, vector<16xf32>, vector<16xf32>)
        scf.yield %sort3A_179 : vector<16xf32>
      }
      %slice3A_116 = vector.extract_strided_slice %while3A_115 {offsets = [0], sizes = [1], strides = [1]} : vector<16xf32> to vector<1xf32>
      %squeeze3A_117 = vector.extract %slice3A_116[0] : f32 from vector<1xf32>
      %broadcast_in_dim3A_118 = vector.broadcast %squeeze3A_117 : f32 to vector<16xf32>
      %while3A_119 = arith.constant 0 : i32
      %while3A_120 = arith.constant 0 : i32
      %while3A_121 = arith.constant 0 : i32
      %while3A_122 = arith.subi %shift_right_arithmetic3A_27, %while3A_119 : i32
      %while3A_123 = arith.addi %while3A_119, %while3A_122 : i32
      %while3A_124 = arith.constant 1 : i32
      %while3A_125 = arith.divsi %while3A_122, %while3A_124 : i32
      %while3A_126 = arith.muli %while3A_125, %while3A_124 : i32
      %while3A_127 = arith.addi %while3A_119, %while3A_126 : i32
      %while3A_128 = arith.constant 1 : i32
      %while3A_129:2 = scf.for %while3A_156 = %while3A_119 to %while3A_127 step %while3A_128 iter_args(%while3A_157 = %while3A_120, %while3A_158 = %while3A_121) -> (i32, i32)  : i32 {
        %mul3A_159 = arith.constant 16 : i32
        %mul3A_160 = arith.muli %while3A_156, %mul3A_159 : i32
        %get3A_161 = arith.index_cast %mul3A_160 : i32 to index
        %get3A_162 = tpu.vector_load %arg9[%get3A_161] {strides = array<i32>} : memref<2064xi32, #tpu.memory_space<vmem>>, vector<16xi32>,
        %add3A_163 = vector.broadcast %mul3A_160 : i32 to vector<16xi32>
        %add3A_164 = arith.addi %iota3A, %add3A_163 : vector<16xi32>
        %lt3A = vector.broadcast %scan3A_22 : i32 to vector<16xi32>
        %lt3A_165 = arith.cmpi slt, %add3A_164, %lt3A : vector<16xi32>
        %jit3A = arith.constant 0 : i32
        %broadcast_in_dim3A_166 = vector.broadcast %jit3A : i32 to vector<16xi32>
        %select_n3A = arith.select %lt3A_165, %get3A_162, %broadcast_in_dim3A_166 : vector<16xi1>, vector<16xi32>
        %gather3A = tpu.vector_load_idx %arg8[%select_n3A] : memref<2048xf32, #tpu.memory_space<vmem>>[vector<16xi32>], vector<16xf32>,
        %jit3A_167 = arith.constant 0xFF800000 : f32
        %broadcast_in_dim3A_168 = vector.broadcast %jit3A_167 : f32 to vector<16xf32>
        %select_n3A_169 = arith.select %lt3A_165, %gather3A, %broadcast_in_dim3A_168 : vector<16xi1>, vector<16xf32>
        %ge3A = arith.cmpf oge, %select_n3A_169, %broadcast_in_dim3A_118 : vector<16xf32>
        %and3A_170 = arith.andi %lt3A_165, %ge3A : vector<16xi1>
        %gt3A = arith.cmpf ogt, %select_n3A_169, %broadcast_in_dim3A_118 : vector<16xf32>
        %and3A_171 = arith.andi %lt3A_165, %gt3A : vector<16xi1>
        %swap3A_172 = arith.index_cast %while3A_157 : i32 to index
        %swap3A_173 = tpu.vector_load %arg10[%swap3A_172] masked %and3A_170 {strides = array<i32>} : memref<2080xi32, #tpu.memory_space<vmem>>, vector<16xi32>, vector<16xi1>
        tpu.vector_store %arg10[%swap3A_172], %select_n3A masked %and3A_170 {strides = array<i32>} : memref<2080xi32, #tpu.memory_space<vmem>>, vector<16xi32>, vector<16xi1>
        %jit3A_174 = arith.constant 1 : i32
        %jit3A_175 = arith.constant 0 : i32
        %broadcast_in_dim3A_176 = vector.broadcast %jit3A_174 : i32 to vector<16xi32>
        %broadcast_in_dim3A_177 = vector.broadcast %jit3A_175 : i32 to vector<16xi32>
        %select_n3A_178 = arith.select %and3A_171, %broadcast_in_dim3A_176, %broadcast_in_dim3A_177 : vector<16xi1>, vector<16xi32>
        %swap3A_179 = arith.index_cast %while3A_157 : i32 to index
        %swap3A_180 = tpu.vector_load %arg11[%swap3A_179] masked %and3A_170 {strides = array<i32>} : memref<2080xi32, #tpu.memory_space<vmem>>, vector<16xi32>, vector<16xi1>
        tpu.vector_store %arg11[%swap3A_179], %select_n3A_178 masked %and3A_170 {strides = array<i32>} : memref<2080xi32, #tpu.memory_space<vmem>>, vector<16xi32>, vector<16xi1>
        %all_reduce_population_count3A = tpu.all_reduce %and3A_170 {dim = 0 : i64, kind = #tpu.reduction_kind<sum>} : vector<16xi1> -> vector<16xi32>
        %slice3A_181 = vector.extract_strided_slice %all_reduce_population_count3A {offsets = [0], sizes = [1], strides = [1]} : vector<16xi32> to vector<1xi32>
        %squeeze3A_182 = vector.extract %slice3A_181[0] : i32 from vector<1xi32>
        %all_reduce_population_count3A_183 = tpu.all_reduce %and3A_171 {dim = 0 : i64, kind = #tpu.reduction_kind<sum>} : vector<16xi1> -> vector<16xi32>
        %slice3A_184 = vector.extract_strided_slice %all_reduce_population_count3A_183 {offsets = [0], sizes = [1], strides = [1]} : vector<16xi32> to vector<1xi32>
        %squeeze3A_185 = vector.extract %slice3A_184[0] : i32 from vector<1xi32>
        %add3A_186 = arith.addi %while3A_157, %squeeze3A_182 : i32
        %add3A_187 = arith.addi %while3A_158, %squeeze3A_185 : i32
        scf.yield %add3A_186, %add3A_187 : i32, i32
      }
      %while3A_130 = arith.constant 1 : i32
      %while3A_131:2 = scf.for %while3A_156 = %while3A_127 to %while3A_123 step %while3A_130 iter_args(%while3A_157 = %while3A_129#0, %while3A_158 = %while3A_129#1) -> (i32, i32)  : i32 {
        %mul3A_159 = arith.constant 16 : i32
        %mul3A_160 = arith.muli %while3A_156, %mul3A_159 : i32
        %get3A_161 = arith.index_cast %mul3A_160 : i32 to index
        %get3A_162 = tpu.vector_load %arg9[%get3A_161] {strides = array<i32>} : memref<2064xi32, #tpu.memory_space<vmem>>, vector<16xi32>,
        %add3A_163 = vector.broadcast %mul3A_160 : i32 to vector<16xi32>
        %add3A_164 = arith.addi %iota3A, %add3A_163 : vector<16xi32>
        %lt3A = vector.broadcast %scan3A_22 : i32 to vector<16xi32>
        %lt3A_165 = arith.cmpi slt, %add3A_164, %lt3A : vector<16xi32>
        %jit3A = arith.constant 0 : i32
        %broadcast_in_dim3A_166 = vector.broadcast %jit3A : i32 to vector<16xi32>
        %select_n3A = arith.select %lt3A_165, %get3A_162, %broadcast_in_dim3A_166 : vector<16xi1>, vector<16xi32>
        %gather3A = tpu.vector_load_idx %arg8[%select_n3A] : memref<2048xf32, #tpu.memory_space<vmem>>[vector<16xi32>], vector<16xf32>,
        %jit3A_167 = arith.constant 0xFF800000 : f32
        %broadcast_in_dim3A_168 = vector.broadcast %jit3A_167 : f32 to vector<16xf32>
        %select_n3A_169 = arith.select %lt3A_165, %gather3A, %broadcast_in_dim3A_168 : vector<16xi1>, vector<16xf32>
        %ge3A = arith.cmpf oge, %select_n3A_169, %broadcast_in_dim3A_118 : vector<16xf32>
        %and3A_170 = arith.andi %lt3A_165, %ge3A : vector<16xi1>
        %gt3A = arith.cmpf ogt, %select_n3A_169, %broadcast_in_dim3A_118 : vector<16xf32>
        %and3A_171 = arith.andi %lt3A_165, %gt3A : vector<16xi1>
        %swap3A_172 = arith.index_cast %while3A_157 : i32 to index
        %swap3A_173 = tpu.vector_load %arg10[%swap3A_172] masked %and3A_170 {strides = array<i32>} : memref<2080xi32, #tpu.memory_space<vmem>>, vector<16xi32>, vector<16xi1>
        tpu.vector_store %arg10[%swap3A_172], %select_n3A masked %and3A_170 {strides = array<i32>} : memref<2080xi32, #tpu.memory_space<vmem>>, vector<16xi32>, vector<16xi1>
        %jit3A_174 = arith.constant 1 : i32
        %jit3A_175 = arith.constant 0 : i32
        %broadcast_in_dim3A_176 = vector.broadcast %jit3A_174 : i32 to vector<16xi32>
        %broadcast_in_dim3A_177 = vector.broadcast %jit3A_175 : i32 to vector<16xi32>
        %select_n3A_178 = arith.select %and3A_171, %broadcast_in_dim3A_176, %broadcast_in_dim3A_177 : vector<16xi1>, vector<16xi32>
        %swap3A_179 = arith.index_cast %while3A_157 : i32 to index
        %swap3A_180 = tpu.vector_load %arg11[%swap3A_179] masked %and3A_170 {strides = array<i32>} : memref<2080xi32, #tpu.memory_space<vmem>>, vector<16xi32>, vector<16xi1>
        tpu.vector_store %arg11[%swap3A_179], %select_n3A_178 masked %and3A_170 {strides = array<i32>} : memref<2080xi32, #tpu.memory_space<vmem>>, vector<16xi32>, vector<16xi1>
        %all_reduce_population_count3A = tpu.all_reduce %and3A_170 {dim = 0 : i64, kind = #tpu.reduction_kind<sum>} : vector<16xi1> -> vector<16xi32>
        %slice3A_181 = vector.extract_strided_slice %all_reduce_population_count3A {offsets = [0], sizes = [1], strides = [1]} : vector<16xi32> to vector<1xi32>
        %squeeze3A_182 = vector.extract %slice3A_181[0] : i32 from vector<1xi32>
        %all_reduce_population_count3A_183 = tpu.all_reduce %and3A_171 {dim = 0 : i64, kind = #tpu.reduction_kind<sum>} : vector<16xi1> -> vector<16xi32>
        %slice3A_184 = vector.extract_strided_slice %all_reduce_population_count3A_183 {offsets = [0], sizes = [1], strides = [1]} : vector<16xi32> to vector<1xi32>
        %squeeze3A_185 = vector.extract %slice3A_184[0] : i32 from vector<1xi32>
        %add3A_186 = arith.addi %while3A_157, %squeeze3A_182 : i32
        %add3A_187 = arith.addi %while3A_158, %squeeze3A_185 : i32
        scf.yield %add3A_186, %add3A_187 : i32, i32
      }
      %sub3A_132 = arith.constant 16 : i32
      %sub3A_133 = arith.subi %sub3A_132, %while3A_131#1 : i32
      %add3A_134 = arith.constant 15 : i32
      %add3A_135 = arith.addi %while3A_131#0, %add3A_134 : i32
      %shift_right_arithmetic3A_136 = arith.constant 4 : i32
      %shift_right_arithmetic3A_137 = arith.shrsi %add3A_135, %shift_right_arithmetic3A_136 : i32
      %while3A_138 = arith.constant 0 : i32
      %while3A_139 = arith.constant 0 : i32
      %while3A_140 = arith.constant 0 : i32
      %while3A_141 = arith.subi %shift_right_arithmetic3A_137, %while3A_138 : i32
      %while3A_142 = arith.addi %while3A_138, %while3A_141 : i32
      %while3A_143 = arith.constant 1 : i32
      %while3A_144 = arith.divsi %while3A_141, %while3A_143 : i32
      %while3A_145 = arith.muli %while3A_144, %while3A_143 : i32
      %while3A_146 = arith.addi %while3A_138, %while3A_145 : i32
      %while3A_147 = arith.constant 1 : i32
      %while3A_148:2 = scf.for %while3A_156 = %while3A_138 to %while3A_146 step %while3A_147 iter_args(%while3A_157 = %while3A_139, %while3A_158 = %while3A_140) -> (i32, i32)  : i32 {
        %mul3A_159 = arith.constant 16 : i32
        %mul3A_160 = arith.muli %while3A_156, %mul3A_159 : i32
        %get3A_161 = arith.index_cast %mul3A_160 : i32 to index
        %get3A_162 = tpu.vector_load %arg11[%get3A_161] {strides = array<i32>} : memref<2080xi32, #tpu.memory_space<vmem>>, vector<16xi32>,
        %get3A_163 = arith.index_cast %mul3A_160 : i32 to index
        %get3A_164 = tpu.vector_load %arg10[%get3A_163] {strides = array<i32>} : memref<2080xi32, #tpu.memory_space<vmem>>, vector<16xi32>,
        %add3A_165 = vector.broadcast %mul3A_160 : i32 to vector<16xi32>
        %add3A_166 = arith.addi %iota3A, %add3A_165 : vector<16xi32>
        %lt3A = vector.broadcast %while3A_131#0 : i32 to vector<16xi32>
        %lt3A_167 = arith.cmpi slt, %add3A_166, %lt3A : vector<16xi32>
        %eq3A_168 = arith.constant 1 : i32
        %eq3A_169 = vector.broadcast %eq3A_168 : i32 to vector<16xi32>
        %eq3A_170 = arith.cmpi eq, %get3A_162, %eq3A_169 : vector<16xi32>
        %and3A_171 = arith.andi %lt3A_167, %eq3A_170 : vector<16xi1>
        %eq3A_172 = arith.constant 0 : i32
        %eq3A_173 = vector.broadcast %eq3A_172 : i32 to vector<16xi32>
        %eq3A_174 = arith.cmpi eq, %get3A_162, %eq3A_173 : vector<16xi32>
        %and3A_175 = arith.andi %lt3A_167, %eq3A_174 : vector<16xi1>
        %jit3A = arith.constant 1 : i32
        %jit3A_176 = arith.constant 0 : i32
        %broadcast_in_dim3A_177 = vector.broadcast %jit3A : i32 to vector<16xi32>
        %broadcast_in_dim3A_178 = vector.broadcast %jit3A_176 : i32 to vector<16xi32>
        %select_n3A = arith.select %and3A_175, %broadcast_in_dim3A_177, %broadcast_in_dim3A_178 : vector<16xi1>, vector<16xi32>
        %broadcast_in_dim3A_179 = arith.constant true
        %broadcast_in_dim3A_180 = vector.broadcast %broadcast_in_dim3A_179 : i1 to vector<16xi1>
        %masked_cumsum3A = tpu.scan <sum>, %select_n3A masked %broadcast_in_dim3A_180 : vector<16xi32>, vector<16xi1> -> vector<16xi32>
        %sub3A_181 = arith.subi %masked_cumsum3A, %select_n3A : vector<16xi32>
        %add3A_182 = vector.broadcast %while3A_158 : i32 to vector<16xi32>
        %add3A_183 = arith.addi %sub3A_181, %add3A_182 : vector<16xi32>
        %lt3A_184 = vector.broadcast %sub3A_133 : i32 to vector<16xi32>
        %lt3A_185 = arith.cmpi slt, %add3A_183, %lt3A_184 : vector<16xi32>
        %and3A_186 = arith.andi %and3A_175, %lt3A_185 : vector<16xi1>
        %or3A = arith.ori %and3A_171, %and3A_186 : vector<16xi1>
        %swap3A_187 = arith.index_cast %while3A_157 : i32 to index
        %swap3A_188 = tpu.vector_load %arg12[%swap3A_187] masked %or3A {strides = array<i32>} : memref<48xi32, #tpu.memory_space<vmem>>, vector<16xi32>, vector<16xi1>
        tpu.vector_store %arg12[%swap3A_187], %get3A_164 masked %or3A {strides = array<i32>} : memref<48xi32, #tpu.memory_space<vmem>>, vector<16xi32>, vector<16xi1>
        %all_reduce_population_count3A = tpu.all_reduce %or3A {dim = 0 : i64, kind = #tpu.reduction_kind<sum>} : vector<16xi1> -> vector<16xi32>
        %slice3A_189 = vector.extract_strided_slice %all_reduce_population_count3A {offsets = [0], sizes = [1], strides = [1]} : vector<16xi32> to vector<1xi32>
        %squeeze3A_190 = vector.extract %slice3A_189[0] : i32 from vector<1xi32>
        %add3A_191 = arith.addi %while3A_157, %squeeze3A_190 : i32
        %slice3A_192 = vector.extract_strided_slice %masked_cumsum3A {offsets = [15], sizes = [1], strides = [1]} : vector<16xi32> to vector<1xi32>
        %squeeze3A_193 = vector.extract %slice3A_192[0] : i32 from vector<1xi32>
        %add3A_194 = arith.addi %while3A_158, %squeeze3A_193 : i32
        scf.yield %add3A_191, %add3A_194 : i32, i32
      }
      %while3A_149 = arith.constant 1 : i32
      %while3A_150:2 = scf.for %while3A_156 = %while3A_146 to %while3A_142 step %while3A_149 iter_args(%while3A_157 = %while3A_148#0, %while3A_158 = %while3A_148#1) -> (i32, i32)  : i32 {
        %mul3A_159 = arith.constant 16 : i32
        %mul3A_160 = arith.muli %while3A_156, %mul3A_159 : i32
        %get3A_161 = arith.index_cast %mul3A_160 : i32 to index
        %get3A_162 = tpu.vector_load %arg11[%get3A_161] {strides = array<i32>} : memref<2080xi32, #tpu.memory_space<vmem>>, vector<16xi32>,
        %get3A_163 = arith.index_cast %mul3A_160 : i32 to index
        %get3A_164 = tpu.vector_load %arg10[%get3A_163] {strides = array<i32>} : memref<2080xi32, #tpu.memory_space<vmem>>, vector<16xi32>,
        %add3A_165 = vector.broadcast %mul3A_160 : i32 to vector<16xi32>
        %add3A_166 = arith.addi %iota3A, %add3A_165 : vector<16xi32>
        %lt3A = vector.broadcast %while3A_131#0 : i32 to vector<16xi32>
        %lt3A_167 = arith.cmpi slt, %add3A_166, %lt3A : vector<16xi32>
        %eq3A_168 = arith.constant 1 : i32
        %eq3A_169 = vector.broadcast %eq3A_168 : i32 to vector<16xi32>
        %eq3A_170 = arith.cmpi eq, %get3A_162, %eq3A_169 : vector<16xi32>
        %and3A_171 = arith.andi %lt3A_167, %eq3A_170 : vector<16xi1>
        %eq3A_172 = arith.constant 0 : i32
        %eq3A_173 = vector.broadcast %eq3A_172 : i32 to vector<16xi32>
        %eq3A_174 = arith.cmpi eq, %get3A_162, %eq3A_173 : vector<16xi32>
        %and3A_175 = arith.andi %lt3A_167, %eq3A_174 : vector<16xi1>
        %jit3A = arith.constant 1 : i32
        %jit3A_176 = arith.constant 0 : i32
        %broadcast_in_dim3A_177 = vector.broadcast %jit3A : i32 to vector<16xi32>
        %broadcast_in_dim3A_178 = vector.broadcast %jit3A_176 : i32 to vector<16xi32>
        %select_n3A = arith.select %and3A_175, %broadcast_in_dim3A_177, %broadcast_in_dim3A_178 : vector<16xi1>, vector<16xi32>
        %broadcast_in_dim3A_179 = arith.constant true
        %broadcast_in_dim3A_180 = vector.broadcast %broadcast_in_dim3A_179 : i1 to vector<16xi1>
        %masked_cumsum3A = tpu.scan <sum>, %select_n3A masked %broadcast_in_dim3A_180 : vector<16xi32>, vector<16xi1> -> vector<16xi32>
        %sub3A_181 = arith.subi %masked_cumsum3A, %select_n3A : vector<16xi32>
        %add3A_182 = vector.broadcast %while3A_158 : i32 to vector<16xi32>
        %add3A_183 = arith.addi %sub3A_181, %add3A_182 : vector<16xi32>
        %lt3A_184 = vector.broadcast %sub3A_133 : i32 to vector<16xi32>
        %lt3A_185 = arith.cmpi slt, %add3A_183, %lt3A_184 : vector<16xi32>
        %and3A_186 = arith.andi %and3A_175, %lt3A_185 : vector<16xi1>
        %or3A = arith.ori %and3A_171, %and3A_186 : vector<16xi1>
        %swap3A_187 = arith.index_cast %while3A_157 : i32 to index
        %swap3A_188 = tpu.vector_load %arg12[%swap3A_187] masked %or3A {strides = array<i32>} : memref<48xi32, #tpu.memory_space<vmem>>, vector<16xi32>, vector<16xi1>
        tpu.vector_store %arg12[%swap3A_187], %get3A_164 masked %or3A {strides = array<i32>} : memref<48xi32, #tpu.memory_space<vmem>>, vector<16xi32>, vector<16xi1>
        %all_reduce_population_count3A = tpu.all_reduce %or3A {dim = 0 : i64, kind = #tpu.reduction_kind<sum>} : vector<16xi1> -> vector<16xi32>
        %slice3A_189 = vector.extract_strided_slice %all_reduce_population_count3A {offsets = [0], sizes = [1], strides = [1]} : vector<16xi32> to vector<1xi32>
        %squeeze3A_190 = vector.extract %slice3A_189[0] : i32 from vector<1xi32>
        %add3A_191 = arith.addi %while3A_157, %squeeze3A_190 : i32
        %slice3A_192 = vector.extract_strided_slice %masked_cumsum3A {offsets = [15], sizes = [1], strides = [1]} : vector<16xi32> to vector<1xi32>
        %squeeze3A_193 = vector.extract %slice3A_192[0] : i32 from vector<1xi32>
        %add3A_194 = arith.addi %while3A_158, %squeeze3A_193 : i32
        scf.yield %add3A_191, %add3A_194 : i32, i32
      }
      %get3A_151 = arith.constant 0 : index
      %get3A_152 = tpu.vector_load %arg12[%get3A_151] {strides = array<i32>} : memref<48xi32, #tpu.memory_space<vmem>>, vector<16xi32>,
      %mul3A_153 = arith.constant 16 : i32
      %mul3A_154 = arith.muli %scan3A_95, %mul3A_153 : i32
      %swap3A = arith.index_cast %mul3A_154 : i32 to index
      %swap3A_155 = tpu.vector_load %arg15[%swap3A] {strides = array<i32>} : memref<800xi32, #tpu.memory_space<vmem>>, vector<16xi32>,
      tpu.vector_store %arg15[%swap3A], %get3A_152 {strides = array<i32>} : memref<800xi32, #tpu.memory_space<vmem>>, vector<16xi32>,
      tpu.vector_store_idx %arg13[%iota3A, %get3A_152], %broadcast_in_dim3A_0 {add = true} : memref<16x2048xf32, #tpu.memory_space<vmem>>[vector<16xi32>, vector<16xi32>], vector<16xf32>,
    }
    %scan3A_80 = arith.constant 50 : i32
    %eq3A = arith.constant 1 : i32
    %eq3A_81 = arith.cmpi eq, %and3A_3, %eq3A : i32
    %convert_element_type3A = arith.extui %eq3A_81 : i1 to i32
    %cond3A = arith.constant 0 : i32
    %cond3A_82 = arith.cmpi ne, %convert_element_type3A, %cond3A : i32
    scf.if %cond3A_82 {
      %mul3A_95 = arith.constant 16 : i32
      %mul3A_96 = arith.muli %shift_right_arithmetic3A_5, %mul3A_95 : i32
      "tpu.region"() ({
        %run_scoped3A = tpu.sem_alloc : memref<!tpu.dma_semaphore, #tpu.memory_space<semaphore_mem>>
        %dma_start3A = arith.constant 0 : i32
        %dma_start3A_97 = tpu.memref_slice %arg17[%mul3A_96, %dma_start3A] : memref<128x2048xf32, #tpu.memory_space<vmem_shared>> -> memref<16x2048xf32, #tpu.memory_space<vmem_shared>>
        %dma_start3A_98 = arith.constant 0 : i32
        %dma_start3A_99 = tpu.memref_slice %arg17[%mul3A_96, %dma_start3A_98] : memref<128x2048xf32, #tpu.memory_space<vmem_shared>> -> memref<16x2048xf32, #tpu.memory_space<vmem_shared>>
        tpu.enqueue_dma source(%arg13 : memref<16x2048xf32, #tpu.memory_space<vmem>>) target(%dma_start3A_99 : memref<16x2048xf32, #tpu.memory_space<vmem_shared>>) target_semaphore(%run_scoped3A : memref<!tpu.dma_semaphore, #tpu.memory_space<semaphore_mem>>)
        %dma_wait3A = arith.constant 0 : i32
        %dma_wait3A_100 = tpu.memref_slice %arg17[%mul3A_96, %dma_wait3A] : memref<128x2048xf32, #tpu.memory_space<vmem_shared>> -> memref<16x2048xf32, #tpu.memory_space<vmem_shared>>
        %dma_wait3A_101 = arith.constant 0 : i32
        %dma_wait3A_102 = tpu.memref_slice %arg17[%mul3A_96, %dma_wait3A_101] : memref<128x2048xf32, #tpu.memory_space<vmem_shared>> -> memref<16x2048xf32, #tpu.memory_space<vmem_shared>>
        tpu.wait_dma2 semaphore(%run_scoped3A : memref<!tpu.dma_semaphore, #tpu.memory_space<semaphore_mem>>) src(%arg13 : memref<16x2048xf32, #tpu.memory_space<vmem>>) dst(%dma_wait3A_102 : memref<16x2048xf32, #tpu.memory_space<vmem_shared>>)
        tpu.yield
      }) : () -> ()
    } else {
    }
    %barrier3A = arith.constant 0 : index
    tpu.barrier barrier_id(%barrier3A)
    %eq3A_83 = arith.constant 0 : i32
    %eq3A_84 = arith.cmpi eq, %and3A_3, %eq3A_83 : i32
    %convert_element_type3A_85 = arith.extui %eq3A_84 : i1 to i32
    %cond3A_86 = arith.constant 0 : i32
    %cond3A_87 = arith.cmpi ne, %convert_element_type3A_85, %cond3A_86 : i32
    scf.if %cond3A_87 {
      %mul3A_95 = arith.constant 16 : i32
      %mul3A_96 = arith.muli %shift_right_arithmetic3A_5, %mul3A_95 : i32
      "tpu.region"() ({
        %run_scoped3A = tpu.sem_alloc : memref<!tpu.dma_semaphore, #tpu.memory_space<semaphore_mem>>
        %dma_start3A = arith.constant 0 : i32
        %dma_start3A_145 = tpu.memref_slice %arg17[%mul3A_96, %dma_start3A] : memref<128x2048xf32, #tpu.memory_space<vmem_shared>> -> memref<16x2048xf32, #tpu.memory_space<vmem_shared>>
        %dma_start3A_146 = arith.constant 0 : i32
        %dma_start3A_147 = tpu.memref_slice %arg17[%mul3A_96, %dma_start3A_146] : memref<128x2048xf32, #tpu.memory_space<vmem_shared>> -> memref<16x2048xf32, #tpu.memory_space<vmem_shared>>
        tpu.enqueue_dma source(%dma_start3A_147 : memref<16x2048xf32, #tpu.memory_space<vmem_shared>>) target(%arg14 : memref<16x2048xf32, #tpu.memory_space<vmem>>) target_semaphore(%run_scoped3A : memref<!tpu.dma_semaphore, #tpu.memory_space<semaphore_mem>>)
        %dma_wait3A = arith.constant 0 : i32
        %dma_wait3A_148 = tpu.memref_slice %arg17[%mul3A_96, %dma_wait3A] : memref<128x2048xf32, #tpu.memory_space<vmem_shared>> -> memref<16x2048xf32, #tpu.memory_space<vmem_shared>>
        %dma_wait3A_149 = arith.constant 0 : i32
        %dma_wait3A_150 = tpu.memref_slice %arg17[%mul3A_96, %dma_wait3A_149] : memref<128x2048xf32, #tpu.memory_space<vmem_shared>> -> memref<16x2048xf32, #tpu.memory_space<vmem_shared>>
        tpu.wait_dma2 semaphore(%run_scoped3A : memref<!tpu.dma_semaphore, #tpu.memory_space<semaphore_mem>>) src(%dma_wait3A_150 : memref<16x2048xf32, #tpu.memory_space<vmem_shared>>) dst(%arg14 : memref<16x2048xf32, #tpu.memory_space<vmem>>)
        tpu.yield
      }) : () -> ()
      %parallel_loop3A_97 = arith.constant 0 : i32
      %parallel_loop3A_98 = arith.constant 2048 : i32
      %parallel_loop3A_99 = arith.constant 16 : i32
      scf.for %parallel_loop3A_145 = %parallel_loop3A_97 to %parallel_loop3A_98 step %parallel_loop3A_99  : i32 {
        %parallel_loop3A_146 = arith.constant 0 : i32
        %parallel_loop3A_147 = arith.index_cast %parallel_loop3A_146 : i32 to index
        %parallel_loop3A_148 = arith.index_cast %parallel_loop3A_145 : i32 to index
        %parallel_loop3A_149 = tpu.vector_load %arg13[%parallel_loop3A_147, %parallel_loop3A_148] {strides = array<i32>} : memref<16x2048xf32, #tpu.memory_space<vmem>>, vector<16xf32>,
        %parallel_loop3A_150 = arith.constant 0 : i32
        %parallel_loop3A_151 = arith.index_cast %parallel_loop3A_150 : i32 to index
        %parallel_loop3A_152 = arith.index_cast %parallel_loop3A_145 : i32 to index
        %parallel_loop3A_153 = tpu.vector_load %arg14[%parallel_loop3A_151, %parallel_loop3A_152] {strides = array<i32>} : memref<16x2048xf32, #tpu.memory_space<vmem>>, vector<16xf32>,
        %parallel_loop3A_154 = arith.addf %parallel_loop3A_149, %parallel_loop3A_153 : vector<16xf32>
        %parallel_loop3A_155 = arith.constant 0.00999999977 : f32
        %parallel_loop3A_156 = vector.broadcast %parallel_loop3A_155 : f32 to vector<16xf32>
        %parallel_loop3A_157 = arith.mulf %parallel_loop3A_154, %parallel_loop3A_156 : vector<16xf32>
        %parallel_loop3A_158 = arith.constant 0 : i32
        %parallel_loop3A_159 = arith.index_cast %parallel_loop3A_158 : i32 to index
        %parallel_loop3A_160 = arith.index_cast %parallel_loop3A_145 : i32 to index
        %parallel_loop3A_161 = tpu.vector_load %arg13[%parallel_loop3A_159, %parallel_loop3A_160] {strides = array<i32>} : memref<16x2048xf32, #tpu.memory_space<vmem>>, vector<16xf32>,
        tpu.vector_store %arg13[%parallel_loop3A_159, %parallel_loop3A_160], %parallel_loop3A_157 {strides = array<i32>} : memref<16x2048xf32, #tpu.memory_space<vmem>>, vector<16xf32>,
      } {sc.loop_unroll_factor = 1 : i64, sc.parallel_access}
      %parallel_loop3A_100 = arith.constant 0 : i32
      %parallel_loop3A_101 = arith.constant 2048 : i32
      %parallel_loop3A_102 = arith.constant 16 : i32
      scf.for %parallel_loop3A_145 = %parallel_loop3A_100 to %parallel_loop3A_101 step %parallel_loop3A_102  : i32 {
        %parallel_loop3A_146 = arith.constant 1 : i32
        %parallel_loop3A_147 = arith.index_cast %parallel_loop3A_146 : i32 to index
        %parallel_loop3A_148 = arith.index_cast %parallel_loop3A_145 : i32 to index
        %parallel_loop3A_149 = tpu.vector_load %arg13[%parallel_loop3A_147, %parallel_loop3A_148] {strides = array<i32>} : memref<16x2048xf32, #tpu.memory_space<vmem>>, vector<16xf32>,
        %parallel_loop3A_150 = arith.constant 1 : i32
        %parallel_loop3A_151 = arith.index_cast %parallel_loop3A_150 : i32 to index
        %parallel_loop3A_152 = arith.index_cast %parallel_loop3A_145 : i32 to index
        %parallel_loop3A_153 = tpu.vector_load %arg14[%parallel_loop3A_151, %parallel_loop3A_152] {strides = array<i32>} : memref<16x2048xf32, #tpu.memory_space<vmem>>, vector<16xf32>,
        %parallel_loop3A_154 = arith.addf %parallel_loop3A_149, %parallel_loop3A_153 : vector<16xf32>
        %parallel_loop3A_155 = arith.constant 0.00999999977 : f32
        %parallel_loop3A_156 = vector.broadcast %parallel_loop3A_155 : f32 to vector<16xf32>
        %parallel_loop3A_157 = arith.mulf %parallel_loop3A_154, %parallel_loop3A_156 : vector<16xf32>
        %parallel_loop3A_158 = arith.constant 1 : i32
        %parallel_loop3A_159 = arith.index_cast %parallel_loop3A_158 : i32 to index
        %parallel_loop3A_160 = arith.index_cast %parallel_loop3A_145 : i32 to index
        %parallel_loop3A_161 = tpu.vector_load %arg13[%parallel_loop3A_159, %parallel_loop3A_160] {strides = array<i32>} : memref<16x2048xf32, #tpu.memory_space<vmem>>, vector<16xf32>,
        tpu.vector_store %arg13[%parallel_loop3A_159, %parallel_loop3A_160], %parallel_loop3A_157 {strides = array<i32>} : memref<16x2048xf32, #tpu.memory_space<vmem>>, vector<16xf32>,
      } {sc.loop_unroll_factor = 1 : i64, sc.parallel_access}
      %parallel_loop3A_103 = arith.constant 0 : i32
      %parallel_loop3A_104 = arith.constant 2048 : i32
      %parallel_loop3A_105 = arith.constant 16 : i32
      scf.for %parallel_loop3A_145 = %parallel_loop3A_103 to %parallel_loop3A_104 step %parallel_loop3A_105  : i32 {
        %parallel_loop3A_146 = arith.constant 2 : i32
        %parallel_loop3A_147 = arith.index_cast %parallel_loop3A_146 : i32 to index
        %parallel_loop3A_148 = arith.index_cast %parallel_loop3A_145 : i32 to index
        %parallel_loop3A_149 = tpu.vector_load %arg13[%parallel_loop3A_147, %parallel_loop3A_148] {strides = array<i32>} : memref<16x2048xf32, #tpu.memory_space<vmem>>, vector<16xf32>,
        %parallel_loop3A_150 = arith.constant 2 : i32
        %parallel_loop3A_151 = arith.index_cast %parallel_loop3A_150 : i32 to index
        %parallel_loop3A_152 = arith.index_cast %parallel_loop3A_145 : i32 to index
        %parallel_loop3A_153 = tpu.vector_load %arg14[%parallel_loop3A_151, %parallel_loop3A_152] {strides = array<i32>} : memref<16x2048xf32, #tpu.memory_space<vmem>>, vector<16xf32>,
        %parallel_loop3A_154 = arith.addf %parallel_loop3A_149, %parallel_loop3A_153 : vector<16xf32>
        %parallel_loop3A_155 = arith.constant 0.00999999977 : f32
        %parallel_loop3A_156 = vector.broadcast %parallel_loop3A_155 : f32 to vector<16xf32>
        %parallel_loop3A_157 = arith.mulf %parallel_loop3A_154, %parallel_loop3A_156 : vector<16xf32>
        %parallel_loop3A_158 = arith.constant 2 : i32
        %parallel_loop3A_159 = arith.index_cast %parallel_loop3A_158 : i32 to index
        %parallel_loop3A_160 = arith.index_cast %parallel_loop3A_145 : i32 to index
        %parallel_loop3A_161 = tpu.vector_load %arg13[%parallel_loop3A_159, %parallel_loop3A_160] {strides = array<i32>} : memref<16x2048xf32, #tpu.memory_space<vmem>>, vector<16xf32>,
        tpu.vector_store %arg13[%parallel_loop3A_159, %parallel_loop3A_160], %parallel_loop3A_157 {strides = array<i32>} : memref<16x2048xf32, #tpu.memory_space<vmem>>, vector<16xf32>,
      } {sc.loop_unroll_factor = 1 : i64, sc.parallel_access}
      %parallel_loop3A_106 = arith.constant 0 : i32
      %parallel_loop3A_107 = arith.constant 2048 : i32
      %parallel_loop3A_108 = arith.constant 16 : i32
      scf.for %parallel_loop3A_145 = %parallel_loop3A_106 to %parallel_loop3A_107 step %parallel_loop3A_108  : i32 {
        %parallel_loop3A_146 = arith.constant 3 : i32
        %parallel_loop3A_147 = arith.index_cast %parallel_loop3A_146 : i32 to index
        %parallel_loop3A_148 = arith.index_cast %parallel_loop3A_145 : i32 to index
        %parallel_loop3A_149 = tpu.vector_load %arg13[%parallel_loop3A_147, %parallel_loop3A_148] {strides = array<i32>} : memref<16x2048xf32, #tpu.memory_space<vmem>>, vector<16xf32>,
        %parallel_loop3A_150 = arith.constant 3 : i32
        %parallel_loop3A_151 = arith.index_cast %parallel_loop3A_150 : i32 to index
        %parallel_loop3A_152 = arith.index_cast %parallel_loop3A_145 : i32 to index
        %parallel_loop3A_153 = tpu.vector_load %arg14[%parallel_loop3A_151, %parallel_loop3A_152] {strides = array<i32>} : memref<16x2048xf32, #tpu.memory_space<vmem>>, vector<16xf32>,
        %parallel_loop3A_154 = arith.addf %parallel_loop3A_149, %parallel_loop3A_153 : vector<16xf32>
        %parallel_loop3A_155 = arith.constant 0.00999999977 : f32
        %parallel_loop3A_156 = vector.broadcast %parallel_loop3A_155 : f32 to vector<16xf32>
        %parallel_loop3A_157 = arith.mulf %parallel_loop3A_154, %parallel_loop3A_156 : vector<16xf32>
        %parallel_loop3A_158 = arith.constant 3 : i32
        %parallel_loop3A_159 = arith.index_cast %parallel_loop3A_158 : i32 to index
        %parallel_loop3A_160 = arith.index_cast %parallel_loop3A_145 : i32 to index
        %parallel_loop3A_161 = tpu.vector_load %arg13[%parallel_loop3A_159, %parallel_loop3A_160] {strides = array<i32>} : memref<16x2048xf32, #tpu.memory_space<vmem>>, vector<16xf32>,
        tpu.vector_store %arg13[%parallel_loop3A_159, %parallel_loop3A_160], %parallel_loop3A_157 {strides = array<i32>} : memref<16x2048xf32, #tpu.memory_space<vmem>>, vector<16xf32>,
      } {sc.loop_unroll_factor = 1 : i64, sc.parallel_access}
      %parallel_loop3A_109 = arith.constant 0 : i32
      %parallel_loop3A_110 = arith.constant 2048 : i32
      %parallel_loop3A_111 = arith.constant 16 : i32
      scf.for %parallel_loop3A_145 = %parallel_loop3A_109 to %parallel_loop3A_110 step %parallel_loop3A_111  : i32 {
        %parallel_loop3A_146 = arith.constant 4 : i32
        %parallel_loop3A_147 = arith.index_cast %parallel_loop3A_146 : i32 to index
        %parallel_loop3A_148 = arith.index_cast %parallel_loop3A_145 : i32 to index
        %parallel_loop3A_149 = tpu.vector_load %arg13[%parallel_loop3A_147, %parallel_loop3A_148] {strides = array<i32>} : memref<16x2048xf32, #tpu.memory_space<vmem>>, vector<16xf32>,
        %parallel_loop3A_150 = arith.constant 4 : i32
        %parallel_loop3A_151 = arith.index_cast %parallel_loop3A_150 : i32 to index
        %parallel_loop3A_152 = arith.index_cast %parallel_loop3A_145 : i32 to index
        %parallel_loop3A_153 = tpu.vector_load %arg14[%parallel_loop3A_151, %parallel_loop3A_152] {strides = array<i32>} : memref<16x2048xf32, #tpu.memory_space<vmem>>, vector<16xf32>,
        %parallel_loop3A_154 = arith.addf %parallel_loop3A_149, %parallel_loop3A_153 : vector<16xf32>
        %parallel_loop3A_155 = arith.constant 0.00999999977 : f32
        %parallel_loop3A_156 = vector.broadcast %parallel_loop3A_155 : f32 to vector<16xf32>
        %parallel_loop3A_157 = arith.mulf %parallel_loop3A_154, %parallel_loop3A_156 : vector<16xf32>
        %parallel_loop3A_158 = arith.constant 4 : i32
        %parallel_loop3A_159 = arith.index_cast %parallel_loop3A_158 : i32 to index
        %parallel_loop3A_160 = arith.index_cast %parallel_loop3A_145 : i32 to index
        %parallel_loop3A_161 = tpu.vector_load %arg13[%parallel_loop3A_159, %parallel_loop3A_160] {strides = array<i32>} : memref<16x2048xf32, #tpu.memory_space<vmem>>, vector<16xf32>,
        tpu.vector_store %arg13[%parallel_loop3A_159, %parallel_loop3A_160], %parallel_loop3A_157 {strides = array<i32>} : memref<16x2048xf32, #tpu.memory_space<vmem>>, vector<16xf32>,
      } {sc.loop_unroll_factor = 1 : i64, sc.parallel_access}
      %parallel_loop3A_112 = arith.constant 0 : i32
      %parallel_loop3A_113 = arith.constant 2048 : i32
      %parallel_loop3A_114 = arith.constant 16 : i32
      scf.for %parallel_loop3A_145 = %parallel_loop3A_112 to %parallel_loop3A_113 step %parallel_loop3A_114  : i32 {
        %parallel_loop3A_146 = arith.constant 5 : i32
        %parallel_loop3A_147 = arith.index_cast %parallel_loop3A_146 : i32 to index
        %parallel_loop3A_148 = arith.index_cast %parallel_loop3A_145 : i32 to index
        %parallel_loop3A_149 = tpu.vector_load %arg13[%parallel_loop3A_147, %parallel_loop3A_148] {strides = array<i32>} : memref<16x2048xf32, #tpu.memory_space<vmem>>, vector<16xf32>,
        %parallel_loop3A_150 = arith.constant 5 : i32
        %parallel_loop3A_151 = arith.index_cast %parallel_loop3A_150 : i32 to index
        %parallel_loop3A_152 = arith.index_cast %parallel_loop3A_145 : i32 to index
        %parallel_loop3A_153 = tpu.vector_load %arg14[%parallel_loop3A_151, %parallel_loop3A_152] {strides = array<i32>} : memref<16x2048xf32, #tpu.memory_space<vmem>>, vector<16xf32>,
        %parallel_loop3A_154 = arith.addf %parallel_loop3A_149, %parallel_loop3A_153 : vector<16xf32>
        %parallel_loop3A_155 = arith.constant 0.00999999977 : f32
        %parallel_loop3A_156 = vector.broadcast %parallel_loop3A_155 : f32 to vector<16xf32>
        %parallel_loop3A_157 = arith.mulf %parallel_loop3A_154, %parallel_loop3A_156 : vector<16xf32>
        %parallel_loop3A_158 = arith.constant 5 : i32
        %parallel_loop3A_159 = arith.index_cast %parallel_loop3A_158 : i32 to index
        %parallel_loop3A_160 = arith.index_cast %parallel_loop3A_145 : i32 to index
        %parallel_loop3A_161 = tpu.vector_load %arg13[%parallel_loop3A_159, %parallel_loop3A_160] {strides = array<i32>} : memref<16x2048xf32, #tpu.memory_space<vmem>>, vector<16xf32>,
        tpu.vector_store %arg13[%parallel_loop3A_159, %parallel_loop3A_160], %parallel_loop3A_157 {strides = array<i32>} : memref<16x2048xf32, #tpu.memory_space<vmem>>, vector<16xf32>,
      } {sc.loop_unroll_factor = 1 : i64, sc.parallel_access}
      %parallel_loop3A_115 = arith.constant 0 : i32
      %parallel_loop3A_116 = arith.constant 2048 : i32
      %parallel_loop3A_117 = arith.constant 16 : i32
      scf.for %parallel_loop3A_145 = %parallel_loop3A_115 to %parallel_loop3A_116 step %parallel_loop3A_117  : i32 {
        %parallel_loop3A_146 = arith.constant 6 : i32
        %parallel_loop3A_147 = arith.index_cast %parallel_loop3A_146 : i32 to index
        %parallel_loop3A_148 = arith.index_cast %parallel_loop3A_145 : i32 to index
        %parallel_loop3A_149 = tpu.vector_load %arg13[%parallel_loop3A_147, %parallel_loop3A_148] {strides = array<i32>} : memref<16x2048xf32, #tpu.memory_space<vmem>>, vector<16xf32>,
        %parallel_loop3A_150 = arith.constant 6 : i32
        %parallel_loop3A_151 = arith.index_cast %parallel_loop3A_150 : i32 to index
        %parallel_loop3A_152 = arith.index_cast %parallel_loop3A_145 : i32 to index
        %parallel_loop3A_153 = tpu.vector_load %arg14[%parallel_loop3A_151, %parallel_loop3A_152] {strides = array<i32>} : memref<16x2048xf32, #tpu.memory_space<vmem>>, vector<16xf32>,
        %parallel_loop3A_154 = arith.addf %parallel_loop3A_149, %parallel_loop3A_153 : vector<16xf32>
        %parallel_loop3A_155 = arith.constant 0.00999999977 : f32
        %parallel_loop3A_156 = vector.broadcast %parallel_loop3A_155 : f32 to vector<16xf32>
        %parallel_loop3A_157 = arith.mulf %parallel_loop3A_154, %parallel_loop3A_156 : vector<16xf32>
        %parallel_loop3A_158 = arith.constant 6 : i32
        %parallel_loop3A_159 = arith.index_cast %parallel_loop3A_158 : i32 to index
        %parallel_loop3A_160 = arith.index_cast %parallel_loop3A_145 : i32 to index
        %parallel_loop3A_161 = tpu.vector_load %arg13[%parallel_loop3A_159, %parallel_loop3A_160] {strides = array<i32>} : memref<16x2048xf32, #tpu.memory_space<vmem>>, vector<16xf32>,
        tpu.vector_store %arg13[%parallel_loop3A_159, %parallel_loop3A_160], %parallel_loop3A_157 {strides = array<i32>} : memref<16x2048xf32, #tpu.memory_space<vmem>>, vector<16xf32>,
      } {sc.loop_unroll_factor = 1 : i64, sc.parallel_access}
      %parallel_loop3A_118 = arith.constant 0 : i32
      %parallel_loop3A_119 = arith.constant 2048 : i32
      %parallel_loop3A_120 = arith.constant 16 : i32
      scf.for %parallel_loop3A_145 = %parallel_loop3A_118 to %parallel_loop3A_119 step %parallel_loop3A_120  : i32 {
        %parallel_loop3A_146 = arith.constant 7 : i32
        %parallel_loop3A_147 = arith.index_cast %parallel_loop3A_146 : i32 to index
        %parallel_loop3A_148 = arith.index_cast %parallel_loop3A_145 : i32 to index
        %parallel_loop3A_149 = tpu.vector_load %arg13[%parallel_loop3A_147, %parallel_loop3A_148] {strides = array<i32>} : memref<16x2048xf32, #tpu.memory_space<vmem>>, vector<16xf32>,
        %parallel_loop3A_150 = arith.constant 7 : i32
        %parallel_loop3A_151 = arith.index_cast %parallel_loop3A_150 : i32 to index
        %parallel_loop3A_152 = arith.index_cast %parallel_loop3A_145 : i32 to index
        %parallel_loop3A_153 = tpu.vector_load %arg14[%parallel_loop3A_151, %parallel_loop3A_152] {strides = array<i32>} : memref<16x2048xf32, #tpu.memory_space<vmem>>, vector<16xf32>,
        %parallel_loop3A_154 = arith.addf %parallel_loop3A_149, %parallel_loop3A_153 : vector<16xf32>
        %parallel_loop3A_155 = arith.constant 0.00999999977 : f32
        %parallel_loop3A_156 = vector.broadcast %parallel_loop3A_155 : f32 to vector<16xf32>
        %parallel_loop3A_157 = arith.mulf %parallel_loop3A_154, %parallel_loop3A_156 : vector<16xf32>
        %parallel_loop3A_158 = arith.constant 7 : i32
        %parallel_loop3A_159 = arith.index_cast %parallel_loop3A_158 : i32 to index
        %parallel_loop3A_160 = arith.index_cast %parallel_loop3A_145 : i32 to index
        %parallel_loop3A_161 = tpu.vector_load %arg13[%parallel_loop3A_159, %parallel_loop3A_160] {strides = array<i32>} : memref<16x2048xf32, #tpu.memory_space<vmem>>, vector<16xf32>,
        tpu.vector_store %arg13[%parallel_loop3A_159, %parallel_loop3A_160], %parallel_loop3A_157 {strides = array<i32>} : memref<16x2048xf32, #tpu.memory_space<vmem>>, vector<16xf32>,
      } {sc.loop_unroll_factor = 1 : i64, sc.parallel_access}
      %parallel_loop3A_121 = arith.constant 0 : i32
      %parallel_loop3A_122 = arith.constant 2048 : i32
      %parallel_loop3A_123 = arith.constant 16 : i32
      scf.for %parallel_loop3A_145 = %parallel_loop3A_121 to %parallel_loop3A_122 step %parallel_loop3A_123  : i32 {
        %parallel_loop3A_146 = arith.constant 8 : i32
        %parallel_loop3A_147 = arith.index_cast %parallel_loop3A_146 : i32 to index
        %parallel_loop3A_148 = arith.index_cast %parallel_loop3A_145 : i32 to index
        %parallel_loop3A_149 = tpu.vector_load %arg13[%parallel_loop3A_147, %parallel_loop3A_148] {strides = array<i32>} : memref<16x2048xf32, #tpu.memory_space<vmem>>, vector<16xf32>,
        %parallel_loop3A_150 = arith.constant 8 : i32
        %parallel_loop3A_151 = arith.index_cast %parallel_loop3A_150 : i32 to index
        %parallel_loop3A_152 = arith.index_cast %parallel_loop3A_145 : i32 to index
        %parallel_loop3A_153 = tpu.vector_load %arg14[%parallel_loop3A_151, %parallel_loop3A_152] {strides = array<i32>} : memref<16x2048xf32, #tpu.memory_space<vmem>>, vector<16xf32>,
        %parallel_loop3A_154 = arith.addf %parallel_loop3A_149, %parallel_loop3A_153 : vector<16xf32>
        %parallel_loop3A_155 = arith.constant 0.00999999977 : f32
        %parallel_loop3A_156 = vector.broadcast %parallel_loop3A_155 : f32 to vector<16xf32>
        %parallel_loop3A_157 = arith.mulf %parallel_loop3A_154, %parallel_loop3A_156 : vector<16xf32>
        %parallel_loop3A_158 = arith.constant 8 : i32
        %parallel_loop3A_159 = arith.index_cast %parallel_loop3A_158 : i32 to index
        %parallel_loop3A_160 = arith.index_cast %parallel_loop3A_145 : i32 to index
        %parallel_loop3A_161 = tpu.vector_load %arg13[%parallel_loop3A_159, %parallel_loop3A_160] {strides = array<i32>} : memref<16x2048xf32, #tpu.memory_space<vmem>>, vector<16xf32>,
        tpu.vector_store %arg13[%parallel_loop3A_159, %parallel_loop3A_160], %parallel_loop3A_157 {strides = array<i32>} : memref<16x2048xf32, #tpu.memory_space<vmem>>, vector<16xf32>,
      } {sc.loop_unroll_factor = 1 : i64, sc.parallel_access}
      %parallel_loop3A_124 = arith.constant 0 : i32
      %parallel_loop3A_125 = arith.constant 2048 : i32
      %parallel_loop3A_126 = arith.constant 16 : i32
      scf.for %parallel_loop3A_145 = %parallel_loop3A_124 to %parallel_loop3A_125 step %parallel_loop3A_126  : i32 {
        %parallel_loop3A_146 = arith.constant 9 : i32
        %parallel_loop3A_147 = arith.index_cast %parallel_loop3A_146 : i32 to index
        %parallel_loop3A_148 = arith.index_cast %parallel_loop3A_145 : i32 to index
        %parallel_loop3A_149 = tpu.vector_load %arg13[%parallel_loop3A_147, %parallel_loop3A_148] {strides = array<i32>} : memref<16x2048xf32, #tpu.memory_space<vmem>>, vector<16xf32>,
        %parallel_loop3A_150 = arith.constant 9 : i32
        %parallel_loop3A_151 = arith.index_cast %parallel_loop3A_150 : i32 to index
        %parallel_loop3A_152 = arith.index_cast %parallel_loop3A_145 : i32 to index
        %parallel_loop3A_153 = tpu.vector_load %arg14[%parallel_loop3A_151, %parallel_loop3A_152] {strides = array<i32>} : memref<16x2048xf32, #tpu.memory_space<vmem>>, vector<16xf32>,
        %parallel_loop3A_154 = arith.addf %parallel_loop3A_149, %parallel_loop3A_153 : vector<16xf32>
        %parallel_loop3A_155 = arith.constant 0.00999999977 : f32
        %parallel_loop3A_156 = vector.broadcast %parallel_loop3A_155 : f32 to vector<16xf32>
        %parallel_loop3A_157 = arith.mulf %parallel_loop3A_154, %parallel_loop3A_156 : vector<16xf32>
        %parallel_loop3A_158 = arith.constant 9 : i32
        %parallel_loop3A_159 = arith.index_cast %parallel_loop3A_158 : i32 to index
        %parallel_loop3A_160 = arith.index_cast %parallel_loop3A_145 : i32 to index
        %parallel_loop3A_161 = tpu.vector_load %arg13[%parallel_loop3A_159, %parallel_loop3A_160] {strides = array<i32>} : memref<16x2048xf32, #tpu.memory_space<vmem>>, vector<16xf32>,
        tpu.vector_store %arg13[%parallel_loop3A_159, %parallel_loop3A_160], %parallel_loop3A_157 {strides = array<i32>} : memref<16x2048xf32, #tpu.memory_space<vmem>>, vector<16xf32>,
      } {sc.loop_unroll_factor = 1 : i64, sc.parallel_access}
      %parallel_loop3A_127 = arith.constant 0 : i32
      %parallel_loop3A_128 = arith.constant 2048 : i32
      %parallel_loop3A_129 = arith.constant 16 : i32
      scf.for %parallel_loop3A_145 = %parallel_loop3A_127 to %parallel_loop3A_128 step %parallel_loop3A_129  : i32 {
        %parallel_loop3A_146 = arith.constant 10 : i32
        %parallel_loop3A_147 = arith.index_cast %parallel_loop3A_146 : i32 to index
        %parallel_loop3A_148 = arith.index_cast %parallel_loop3A_145 : i32 to index
        %parallel_loop3A_149 = tpu.vector_load %arg13[%parallel_loop3A_147, %parallel_loop3A_148] {strides = array<i32>} : memref<16x2048xf32, #tpu.memory_space<vmem>>, vector<16xf32>,
        %parallel_loop3A_150 = arith.constant 10 : i32
        %parallel_loop3A_151 = arith.index_cast %parallel_loop3A_150 : i32 to index
        %parallel_loop3A_152 = arith.index_cast %parallel_loop3A_145 : i32 to index
        %parallel_loop3A_153 = tpu.vector_load %arg14[%parallel_loop3A_151, %parallel_loop3A_152] {strides = array<i32>} : memref<16x2048xf32, #tpu.memory_space<vmem>>, vector<16xf32>,
        %parallel_loop3A_154 = arith.addf %parallel_loop3A_149, %parallel_loop3A_153 : vector<16xf32>
        %parallel_loop3A_155 = arith.constant 0.00999999977 : f32
        %parallel_loop3A_156 = vector.broadcast %parallel_loop3A_155 : f32 to vector<16xf32>
        %parallel_loop3A_157 = arith.mulf %parallel_loop3A_154, %parallel_loop3A_156 : vector<16xf32>
        %parallel_loop3A_158 = arith.constant 10 : i32
        %parallel_loop3A_159 = arith.index_cast %parallel_loop3A_158 : i32 to index
        %parallel_loop3A_160 = arith.index_cast %parallel_loop3A_145 : i32 to index
        %parallel_loop3A_161 = tpu.vector_load %arg13[%parallel_loop3A_159, %parallel_loop3A_160] {strides = array<i32>} : memref<16x2048xf32, #tpu.memory_space<vmem>>, vector<16xf32>,
        tpu.vector_store %arg13[%parallel_loop3A_159, %parallel_loop3A_160], %parallel_loop3A_157 {strides = array<i32>} : memref<16x2048xf32, #tpu.memory_space<vmem>>, vector<16xf32>,
      } {sc.loop_unroll_factor = 1 : i64, sc.parallel_access}
      %parallel_loop3A_130 = arith.constant 0 : i32
      %parallel_loop3A_131 = arith.constant 2048 : i32
      %parallel_loop3A_132 = arith.constant 16 : i32
      scf.for %parallel_loop3A_145 = %parallel_loop3A_130 to %parallel_loop3A_131 step %parallel_loop3A_132  : i32 {
        %parallel_loop3A_146 = arith.constant 11 : i32
        %parallel_loop3A_147 = arith.index_cast %parallel_loop3A_146 : i32 to index
        %parallel_loop3A_148 = arith.index_cast %parallel_loop3A_145 : i32 to index
        %parallel_loop3A_149 = tpu.vector_load %arg13[%parallel_loop3A_147, %parallel_loop3A_148] {strides = array<i32>} : memref<16x2048xf32, #tpu.memory_space<vmem>>, vector<16xf32>,
        %parallel_loop3A_150 = arith.constant 11 : i32
        %parallel_loop3A_151 = arith.index_cast %parallel_loop3A_150 : i32 to index
        %parallel_loop3A_152 = arith.index_cast %parallel_loop3A_145 : i32 to index
        %parallel_loop3A_153 = tpu.vector_load %arg14[%parallel_loop3A_151, %parallel_loop3A_152] {strides = array<i32>} : memref<16x2048xf32, #tpu.memory_space<vmem>>, vector<16xf32>,
        %parallel_loop3A_154 = arith.addf %parallel_loop3A_149, %parallel_loop3A_153 : vector<16xf32>
        %parallel_loop3A_155 = arith.constant 0.00999999977 : f32
        %parallel_loop3A_156 = vector.broadcast %parallel_loop3A_155 : f32 to vector<16xf32>
        %parallel_loop3A_157 = arith.mulf %parallel_loop3A_154, %parallel_loop3A_156 : vector<16xf32>
        %parallel_loop3A_158 = arith.constant 11 : i32
        %parallel_loop3A_159 = arith.index_cast %parallel_loop3A_158 : i32 to index
        %parallel_loop3A_160 = arith.index_cast %parallel_loop3A_145 : i32 to index
        %parallel_loop3A_161 = tpu.vector_load %arg13[%parallel_loop3A_159, %parallel_loop3A_160] {strides = array<i32>} : memref<16x2048xf32, #tpu.memory_space<vmem>>, vector<16xf32>,
        tpu.vector_store %arg13[%parallel_loop3A_159, %parallel_loop3A_160], %parallel_loop3A_157 {strides = array<i32>} : memref<16x2048xf32, #tpu.memory_space<vmem>>, vector<16xf32>,
      } {sc.loop_unroll_factor = 1 : i64, sc.parallel_access}
      %parallel_loop3A_133 = arith.constant 0 : i32
      %parallel_loop3A_134 = arith.constant 2048 : i32
      %parallel_loop3A_135 = arith.constant 16 : i32
      scf.for %parallel_loop3A_145 = %parallel_loop3A_133 to %parallel_loop3A_134 step %parallel_loop3A_135  : i32 {
        %parallel_loop3A_146 = arith.constant 12 : i32
        %parallel_loop3A_147 = arith.index_cast %parallel_loop3A_146 : i32 to index
        %parallel_loop3A_148 = arith.index_cast %parallel_loop3A_145 : i32 to index
        %parallel_loop3A_149 = tpu.vector_load %arg13[%parallel_loop3A_147, %parallel_loop3A_148] {strides = array<i32>} : memref<16x2048xf32, #tpu.memory_space<vmem>>, vector<16xf32>,
        %parallel_loop3A_150 = arith.constant 12 : i32
        %parallel_loop3A_151 = arith.index_cast %parallel_loop3A_150 : i32 to index
        %parallel_loop3A_152 = arith.index_cast %parallel_loop3A_145 : i32 to index
        %parallel_loop3A_153 = tpu.vector_load %arg14[%parallel_loop3A_151, %parallel_loop3A_152] {strides = array<i32>} : memref<16x2048xf32, #tpu.memory_space<vmem>>, vector<16xf32>,
        %parallel_loop3A_154 = arith.addf %parallel_loop3A_149, %parallel_loop3A_153 : vector<16xf32>
        %parallel_loop3A_155 = arith.constant 0.00999999977 : f32
        %parallel_loop3A_156 = vector.broadcast %parallel_loop3A_155 : f32 to vector<16xf32>
        %parallel_loop3A_157 = arith.mulf %parallel_loop3A_154, %parallel_loop3A_156 : vector<16xf32>
        %parallel_loop3A_158 = arith.constant 12 : i32
        %parallel_loop3A_159 = arith.index_cast %parallel_loop3A_158 : i32 to index
        %parallel_loop3A_160 = arith.index_cast %parallel_loop3A_145 : i32 to index
        %parallel_loop3A_161 = tpu.vector_load %arg13[%parallel_loop3A_159, %parallel_loop3A_160] {strides = array<i32>} : memref<16x2048xf32, #tpu.memory_space<vmem>>, vector<16xf32>,
        tpu.vector_store %arg13[%parallel_loop3A_159, %parallel_loop3A_160], %parallel_loop3A_157 {strides = array<i32>} : memref<16x2048xf32, #tpu.memory_space<vmem>>, vector<16xf32>,
      } {sc.loop_unroll_factor = 1 : i64, sc.parallel_access}
      %parallel_loop3A_136 = arith.constant 0 : i32
      %parallel_loop3A_137 = arith.constant 2048 : i32
      %parallel_loop3A_138 = arith.constant 16 : i32
      scf.for %parallel_loop3A_145 = %parallel_loop3A_136 to %parallel_loop3A_137 step %parallel_loop3A_138  : i32 {
        %parallel_loop3A_146 = arith.constant 13 : i32
        %parallel_loop3A_147 = arith.index_cast %parallel_loop3A_146 : i32 to index
        %parallel_loop3A_148 = arith.index_cast %parallel_loop3A_145 : i32 to index
        %parallel_loop3A_149 = tpu.vector_load %arg13[%parallel_loop3A_147, %parallel_loop3A_148] {strides = array<i32>} : memref<16x2048xf32, #tpu.memory_space<vmem>>, vector<16xf32>,
        %parallel_loop3A_150 = arith.constant 13 : i32
        %parallel_loop3A_151 = arith.index_cast %parallel_loop3A_150 : i32 to index
        %parallel_loop3A_152 = arith.index_cast %parallel_loop3A_145 : i32 to index
        %parallel_loop3A_153 = tpu.vector_load %arg14[%parallel_loop3A_151, %parallel_loop3A_152] {strides = array<i32>} : memref<16x2048xf32, #tpu.memory_space<vmem>>, vector<16xf32>,
        %parallel_loop3A_154 = arith.addf %parallel_loop3A_149, %parallel_loop3A_153 : vector<16xf32>
        %parallel_loop3A_155 = arith.constant 0.00999999977 : f32
        %parallel_loop3A_156 = vector.broadcast %parallel_loop3A_155 : f32 to vector<16xf32>
        %parallel_loop3A_157 = arith.mulf %parallel_loop3A_154, %parallel_loop3A_156 : vector<16xf32>
        %parallel_loop3A_158 = arith.constant 13 : i32
        %parallel_loop3A_159 = arith.index_cast %parallel_loop3A_158 : i32 to index
        %parallel_loop3A_160 = arith.index_cast %parallel_loop3A_145 : i32 to index
        %parallel_loop3A_161 = tpu.vector_load %arg13[%parallel_loop3A_159, %parallel_loop3A_160] {strides = array<i32>} : memref<16x2048xf32, #tpu.memory_space<vmem>>, vector<16xf32>,
        tpu.vector_store %arg13[%parallel_loop3A_159, %parallel_loop3A_160], %parallel_loop3A_157 {strides = array<i32>} : memref<16x2048xf32, #tpu.memory_space<vmem>>, vector<16xf32>,
      } {sc.loop_unroll_factor = 1 : i64, sc.parallel_access}
      %parallel_loop3A_139 = arith.constant 0 : i32
      %parallel_loop3A_140 = arith.constant 2048 : i32
      %parallel_loop3A_141 = arith.constant 16 : i32
      scf.for %parallel_loop3A_145 = %parallel_loop3A_139 to %parallel_loop3A_140 step %parallel_loop3A_141  : i32 {
        %parallel_loop3A_146 = arith.constant 14 : i32
        %parallel_loop3A_147 = arith.index_cast %parallel_loop3A_146 : i32 to index
        %parallel_loop3A_148 = arith.index_cast %parallel_loop3A_145 : i32 to index
        %parallel_loop3A_149 = tpu.vector_load %arg13[%parallel_loop3A_147, %parallel_loop3A_148] {strides = array<i32>} : memref<16x2048xf32, #tpu.memory_space<vmem>>, vector<16xf32>,
        %parallel_loop3A_150 = arith.constant 14 : i32
        %parallel_loop3A_151 = arith.index_cast %parallel_loop3A_150 : i32 to index
        %parallel_loop3A_152 = arith.index_cast %parallel_loop3A_145 : i32 to index
        %parallel_loop3A_153 = tpu.vector_load %arg14[%parallel_loop3A_151, %parallel_loop3A_152] {strides = array<i32>} : memref<16x2048xf32, #tpu.memory_space<vmem>>, vector<16xf32>,
        %parallel_loop3A_154 = arith.addf %parallel_loop3A_149, %parallel_loop3A_153 : vector<16xf32>
        %parallel_loop3A_155 = arith.constant 0.00999999977 : f32
        %parallel_loop3A_156 = vector.broadcast %parallel_loop3A_155 : f32 to vector<16xf32>
        %parallel_loop3A_157 = arith.mulf %parallel_loop3A_154, %parallel_loop3A_156 : vector<16xf32>
        %parallel_loop3A_158 = arith.constant 14 : i32
        %parallel_loop3A_159 = arith.index_cast %parallel_loop3A_158 : i32 to index
        %parallel_loop3A_160 = arith.index_cast %parallel_loop3A_145 : i32 to index
        %parallel_loop3A_161 = tpu.vector_load %arg13[%parallel_loop3A_159, %parallel_loop3A_160] {strides = array<i32>} : memref<16x2048xf32, #tpu.memory_space<vmem>>, vector<16xf32>,
        tpu.vector_store %arg13[%parallel_loop3A_159, %parallel_loop3A_160], %parallel_loop3A_157 {strides = array<i32>} : memref<16x2048xf32, #tpu.memory_space<vmem>>, vector<16xf32>,
      } {sc.loop_unroll_factor = 1 : i64, sc.parallel_access}
      %parallel_loop3A_142 = arith.constant 0 : i32
      %parallel_loop3A_143 = arith.constant 2048 : i32
      %parallel_loop3A_144 = arith.constant 16 : i32
      scf.for %parallel_loop3A_145 = %parallel_loop3A_142 to %parallel_loop3A_143 step %parallel_loop3A_144  : i32 {
        %parallel_loop3A_146 = arith.constant 15 : i32
        %parallel_loop3A_147 = arith.index_cast %parallel_loop3A_146 : i32 to index
        %parallel_loop3A_148 = arith.index_cast %parallel_loop3A_145 : i32 to index
        %parallel_loop3A_149 = tpu.vector_load %arg13[%parallel_loop3A_147, %parallel_loop3A_148] {strides = array<i32>} : memref<16x2048xf32, #tpu.memory_space<vmem>>, vector<16xf32>,
        %parallel_loop3A_150 = arith.constant 15 : i32
        %parallel_loop3A_151 = arith.index_cast %parallel_loop3A_150 : i32 to index
        %parallel_loop3A_152 = arith.index_cast %parallel_loop3A_145 : i32 to index
        %parallel_loop3A_153 = tpu.vector_load %arg14[%parallel_loop3A_151, %parallel_loop3A_152] {strides = array<i32>} : memref<16x2048xf32, #tpu.memory_space<vmem>>, vector<16xf32>,
        %parallel_loop3A_154 = arith.addf %parallel_loop3A_149, %parallel_loop3A_153 : vector<16xf32>
        %parallel_loop3A_155 = arith.constant 0.00999999977 : f32
        %parallel_loop3A_156 = vector.broadcast %parallel_loop3A_155 : f32 to vector<16xf32>
        %parallel_loop3A_157 = arith.mulf %parallel_loop3A_154, %parallel_loop3A_156 : vector<16xf32>
        %parallel_loop3A_158 = arith.constant 15 : i32
        %parallel_loop3A_159 = arith.index_cast %parallel_loop3A_158 : i32 to index
        %parallel_loop3A_160 = arith.index_cast %parallel_loop3A_145 : i32 to index
        %parallel_loop3A_161 = tpu.vector_load %arg13[%parallel_loop3A_159, %parallel_loop3A_160] {strides = array<i32>} : memref<16x2048xf32, #tpu.memory_space<vmem>>, vector<16xf32>,
        tpu.vector_store %arg13[%parallel_loop3A_159, %parallel_loop3A_160], %parallel_loop3A_157 {strides = array<i32>} : memref<16x2048xf32, #tpu.memory_space<vmem>>, vector<16xf32>,
      } {sc.loop_unroll_factor = 1 : i64, sc.parallel_access}
      "tpu.region"() ({
        %run_scoped3A = tpu.sem_alloc : memref<!tpu.dma_semaphore, #tpu.memory_space<semaphore_mem>>
        %dma_start3A = arith.constant 0 : i32
        %dma_start3A_145 = arith.constant 0 : i32
        %dma_start3A_146 = tpu.memref_slice %arg5[%add3A, %dma_start3A, %dma_start3A_145] : memref<16x16x2048xf32, #tpu.memory_space<hbm>> -> memref<1x16x2048xf32, #tpu.memory_space<hbm>>
        %dma_start3A_147 = tpu.memref_squeeze %dma_start3A_146 : memref<1x16x2048xf32, #tpu.memory_space<hbm>> -> memref<16x2048xf32, #tpu.memory_space<hbm>>
        %dma_start3A_148 = arith.constant 0 : i32
        %dma_start3A_149 = arith.constant 0 : i32
        %dma_start3A_150 = tpu.memref_slice %arg5[%add3A, %dma_start3A_148, %dma_start3A_149] : memref<16x16x2048xf32, #tpu.memory_space<hbm>> -> memref<1x16x2048xf32, #tpu.memory_space<hbm>>
        %dma_start3A_151 = tpu.memref_squeeze %dma_start3A_150 : memref<1x16x2048xf32, #tpu.memory_space<hbm>> -> memref<16x2048xf32, #tpu.memory_space<hbm>>
        tpu.enqueue_dma source(%arg13 : memref<16x2048xf32, #tpu.memory_space<vmem>>) target(%dma_start3A_151 : memref<16x2048xf32, #tpu.memory_space<hbm>>) target_semaphore(%run_scoped3A : memref<!tpu.dma_semaphore, #tpu.memory_space<semaphore_mem>>)
        %dma_wait3A = arith.constant 0 : i32
        %dma_wait3A_152 = arith.constant 0 : i32
        %dma_wait3A_153 = tpu.memref_slice %arg5[%add3A, %dma_wait3A, %dma_wait3A_152] : memref<16x16x2048xf32, #tpu.memory_space<hbm>> -> memref<1x16x2048xf32, #tpu.memory_space<hbm>>
        %dma_wait3A_154 = tpu.memref_squeeze %dma_wait3A_153 : memref<1x16x2048xf32, #tpu.memory_space<hbm>> -> memref<16x2048xf32, #tpu.memory_space<hbm>>
        %dma_wait3A_155 = arith.constant 0 : i32
        %dma_wait3A_156 = arith.constant 0 : i32
        %dma_wait3A_157 = tpu.memref_slice %arg5[%add3A, %dma_wait3A_155, %dma_wait3A_156] : memref<16x16x2048xf32, #tpu.memory_space<hbm>> -> memref<1x16x2048xf32, #tpu.memory_space<hbm>>
        %dma_wait3A_158 = tpu.memref_squeeze %dma_wait3A_157 : memref<1x16x2048xf32, #tpu.memory_space<hbm>> -> memref<16x2048xf32, #tpu.memory_space<hbm>>
        tpu.wait_dma2 semaphore(%run_scoped3A : memref<!tpu.dma_semaphore, #tpu.memory_space<semaphore_mem>>) src(%arg13 : memref<16x2048xf32, #tpu.memory_space<vmem>>) dst(%dma_wait3A_158 : memref<16x2048xf32, #tpu.memory_space<hbm>>)
        tpu.yield
      }) : () -> ()
    } else {
    }
    %mul3A_88 = arith.constant 100 : i32
    %mul3A_89 = arith.muli %add3A, %mul3A_88 : i32
    %mul3A_90 = arith.constant 50 : i32
    %mul3A_91 = arith.muli %and3A_3, %mul3A_90 : i32
    %add3A_92 = arith.addi %mul3A_89, %mul3A_91 : i32
    %mul3A_93 = arith.constant 16 : i32
    %mul3A_94 = arith.muli %add3A_92, %mul3A_93 : i32
    "tpu.region"() ({
      %run_scoped3A = tpu.sem_alloc : memref<!tpu.dma_semaphore, #tpu.memory_space<semaphore_mem>>
      %dma_start3A = tpu.memref_slice %arg6[%mul3A_94] : memref<25600xi32, #tpu.memory_space<hbm>> -> memref<800xi32, #tpu.memory_space<hbm>>
      %dma_start3A_95 = tpu.memref_slice %arg6[%mul3A_94] : memref<25600xi32, #tpu.memory_space<hbm>> -> memref<800xi32, #tpu.memory_space<hbm>>
      tpu.enqueue_dma source(%arg15 : memref<800xi32, #tpu.memory_space<vmem>>) target(%dma_start3A_95 : memref<800xi32, #tpu.memory_space<hbm>>) target_semaphore(%run_scoped3A : memref<!tpu.dma_semaphore, #tpu.memory_space<semaphore_mem>>)
      %dma_wait3A = tpu.memref_slice %arg6[%mul3A_94] : memref<25600xi32, #tpu.memory_space<hbm>> -> memref<800xi32, #tpu.memory_space<hbm>>
      %dma_wait3A_96 = tpu.memref_slice %arg6[%mul3A_94] : memref<25600xi32, #tpu.memory_space<hbm>> -> memref<800xi32, #tpu.memory_space<hbm>>
      tpu.wait_dma2 semaphore(%run_scoped3A : memref<!tpu.dma_semaphore, #tpu.memory_space<semaphore_mem>>) src(%arg15 : memref<800xi32, #tpu.memory_space<vmem>>) dst(%dma_wait3A_96 : memref<800xi32, #tpu.memory_space<hbm>>)
      tpu.yield
    }) : () -> ()
    return
  }
}

</mosaic_0001>

<sc_bundles>
// kernel: kernel.3.cloned.1.call-start
scs
__scs_entry_jumppad:
0x0: {  	(pc) =	sbr.rel $0x88, $3  }
0x1: {  	(tag) =	ssettag $0x0;
	lr =	simm.s32 $0x1  }
0x2: {  	[smem:$0x3F9F] =	sst lr;
	_ =	strace $0xD0000000  }
0x3: {  	_ = 	snop  }
0x4: {  	_ = 	snop  }
0x5: {  	_ = 	snop  }
0x6: {  	_ = 	snop  }
0x7: {  	_ = 	snop  }
__scs_overlays_trampoline_lowered:
0x8: {  	[smem:$0x3FAE] =	sst s0  }
0x9: {  	[smem:$0x3FAF] =	sst s1  }
0xa: {  	[smem:$0x3FB0] =	sst s2  }
0xb: {  	[smem:$0x3FB1] =	sst s3  }
0xc: {  	[smem:$0x3FB2] =	sst s4  }
0xd: {  	[smem:$0x3FB3] =	sst s5  }
0xe: {  	[smem:$0x3FB4] =	sst s6  }
0xf: {  	[smem:$0x3FB5] =	sst s7  }
0x10: {  	[smem:$0x3FB6] =	sst s8  }
0x11: {  	[smem:$0x3FB7] =	sst s9;
	s0 =	simm.s32 @!p0 $0x0  }
0x12: {  	s1 =	sld [smem:$0x3F9D];
	s0 =	simm.s32 @p0 $0x1  }
0x13: {  	[smem:$0x3FB8] =	sst s0;
	s0 =	simm.s32 @!p1 $0x0  }
0x14: {  	s2 =	sld [smem:$0x3F9C];
	s0 =	simm.s32 @p1 $0x1  }
0x15: {  	[smem:$0x3FB9] =	sst s0;
	s0 =	simm.s32 @!p2 $0x0  }
0x16: {  	s3 =	sld [smem:$0x3FDB];
	s0 =	simm.s32 @p2 $0x1  }
0x17: {  	s4 =	simm.s32 $0x1BF5;
	[smem:$0x3FBB] =	sst s0  }
0x18: {  	s0 =	sld [smem:$0x3F9E];
	_ =	swait.ge [sflag:s4], $0x0  }
0x19: {  	s7 =	sld [smem:$0x3F9F]  }
0x1a: {  	s8 =	sadd.s32 $0xFFFFE003, lr  }
0x1b: {  	s9 =	sadd.s32 $0xFFFFFEF7, lr;
	s5 =	simm.s32 $0xFFFFFFFF;
	p2 =	slt.u32 s8, $0xFFFFF086  }
0x1c: {  	p1 =	slt.u32 s9, $0xF7A;
	s5 =	simm.s32 @!p2 $0x0  }
0x1d: {  	s5 =	simm.s32 @p1 $0x1;
	p0 =	seq.s32 s7, s2  }
0x1e: {  	s7 =	smul.u32 @!p0 $0xF7A, s2;
	p2 =	seq.s32 @!p0 s5, $0x0  }
0x1f: {  	s9 =	smul.u32 $0xF7A, s1;
	s8 =	simm.s32 @!p0 $0x1BF5;
	p2 =	por !p2, p0  }
0x20: {  	[sflag:s8] =	ssyncset.s32 @!p0 $0xFFFFF086;
	s6 =	sadd.s32 @!p0 s3, s7;
	s7 =	simm.s32 @!p0 $0x108  }
0x21: {  	s3 =	sadd.s32 s3, s9;
	s6 =	sadd.s32 @!p0 $0x88, s6;
	s7 =	simm.s32 @p2 $0x1082  }
0x22: {  	[simem:s7], [sflag:s8] =	dma.local @!p0 [hbm:s6], $0xF7A  }
0x23: {  	s9 =	sor.u32 $0xD0000000, s2;
	s6 =	simm.s32 $0x108;
	_ =	swait.ge @!p0 [sflag:s8], $0x0  }
0x24: {  	s3 =	sadd.s32 $0x88, s3;
	s6 =	simm.s32 @!p1 $0x1082;
	[sflag:s4] =	ssyncset.s32 $0xFFFFF086  }
0x25: {  	[simem:s6], [sflag:s4] =	dma.local [hbm:s3], $0xF7A  }
0x26: {  	[smem:$0x3F9F] =	sst s1;
	(tag) =	ssettag s2;
	_ =	strace s9  }
0x27: {  	s1 =	sld [smem:$0x3FAF]  }
0x28: {  	s2 =	sld [smem:$0x3FB0]  }
0x29: {  	s4 =	sld [smem:$0x3FB2]  }
0x2a: {  	p0 =	seq.s32 s5, $0x0;
	s5 =	sld [smem:$0x3FB3]  }
0x2b: {  	s6 =	sld [smem:$0x3FB4]  }
0x2c: {  	s7 =	sld [smem:$0x3FB5]  }
0x2d: {  	s3 =	simm.s32 $0x108;
	s8 =	sld [smem:$0x3FB6]  }
0x2e: {  	s3 =	simm.s32 @!p0 $0x1082;
	s9 =	sld [smem:$0x3FB7]  }
0x2f: {  	lr =	sadd.s32 s0, s3;
	s0 =	sld [smem:$0x3FAE]  }
0x30: {  	s3 =	sld [smem:$0x3FB1]  }
0x31: {  	[smem:$0x3FBA] =	sst s10  }
0x32: {  	s10 =	sld [smem:$0x3FB8];
	_ =	sdelay $0x3  }
0x33: {  	p0 =	seq.s32 s10, $0x1;
	s10 =	sld [smem:$0x3FBA];
	_ =	sdelay $0x3  }
0x34: {  	[smem:$0x3FBA] =	sst s10  }
0x35: {  	s10 =	sld [smem:$0x3FB9];
	_ =	sdelay $0x3  }
0x36: {  	p1 =	seq.s32 s10, $0x1;
	s10 =	sld [smem:$0x3FBA];
	_ =	sdelay $0x3  }
0x37: {  	[smem:$0x3FBA] =	sst s10  }
0x38: {  	s10 =	sld [smem:$0x3FBB]  }
0x39: {  	_ = 	snop;
	(pc) =	sbr.ind lr, $3  }
0x3a: {  	_ = 	snop  }
0x3b: {  	_ = 	snop  }
0x3c: {  	p2 =	seq.s32 s10, $0x1;
	s10 =	sld [smem:$0x3FBA]  }
0x3d: {  	_ =	shalt  }
0x3e: {  	_ =	shalt  }
0x3f: {  	_ =	shalt  }
0x40: {  	_ =	shalt  }
0x41: {  	_ =	shalt  }
0x42: {  	_ =	shalt  }
0x43: {  	_ =	shalt  }
0x44: {  	_ =	shalt  }
0x45: {  	_ =	shalt  }
0x46: {  	_ =	shalt  }
0x47: {  	_ =	shalt  }
0x48: {  	_ =	shalt  }
0x49: {  	_ =	shalt  }
0x4a: {  	_ =	shalt  }
0x4b: {  	_ =	shalt  }
0x4c: {  	_ =	shalt  }
0x4d: {  	_ =	shalt  }
0x4e: {  	_ =	shalt  }
0x4f: {  	_ =	shalt  }
0x50: {  	_ =	shalt  }
0x51: {  	_ =	shalt  }
0x52: {  	_ =	shalt  }
0x53: {  	_ =	shalt  }
0x54: {  	_ =	shalt  }
0x55: {  	_ =	shalt  }
0x56: {  	_ =	shalt  }
0x57: {  	_ =	shalt  }
0x58: {  	_ =	shalt  }
0x59: {  	_ =	shalt  }
0x5a: {  	_ =	shalt  }
0x5b: {  	_ =	shalt  }
0x5c: {  	_ =	shalt  }
0x5d: {  	_ =	shalt  }
0x5e: {  	_ =	shalt  }
0x5f: {  	_ =	shalt  }
0x60: {  	_ =	shalt  }
0x61: {  	_ =	shalt  }
0x62: {  	_ =	shalt  }
0x63: {  	_ =	shalt  }
0x64: {  	_ =	shalt  }
0x65: {  	_ =	shalt  }
0x66: {  	_ =	shalt  }
0x67: {  	_ =	shalt  }
0x68: {  	_ =	shalt  }
0x69: {  	_ =	shalt  }
0x6a: {  	_ =	shalt  }
0x6b: {  	_ =	shalt  }
0x6c: {  	_ =	shalt  }
0x6d: {  	_ =	shalt  }
0x6e: {  	_ =	shalt  }
0x6f: {  	_ =	shalt  }
0x70: {  	_ =	shalt  }
0x71: {  	_ =	shalt  }
0x72: {  	_ =	shalt  }
0x73: {  	_ =	shalt  }
0x74: {  	_ =	shalt  }
0x75: {  	_ =	shalt  }
0x76: {  	_ =	shalt  }
0x77: {  	_ =	shalt  }
0x78: {  	_ =	shalt  }
0x79: {  	_ =	shalt  }
0x7a: {  	_ =	shalt  }
0x7b: {  	_ =	shalt  }
0x7c: {  	_ =	shalt  }
0x7d: {  	_ =	shalt  }
0x7e: {  	_ =	shalt  }
0x7f: {  	_ =	shalt  }
0x80: {  	_ =	shalt  }
0x81: {  	_ =	shalt  }
0x82: {  	_ =	shalt  }
0x83: {  	_ =	shalt  }
0x84: {  	_ =	shalt  }
0x85: {  	_ =	shalt  }
0x86: {  	_ =	shalt  }
0x87: {  	_ =	shalt  }
.Lfunc_end0:
.L_simem_size_0:
called_computation_lowered:
.L_overlay_start_0:
0x88: {  	s2 =	sld [smem:$0x3FD9]  }
0x89: {  	s3 =	sld [smem:$0x3FFE];
	_ =	sdelay $0x1  }
0x8a: {  	s1 =	srdreg.scid  }
0x8b: {  	s0 =	sand.u32 $0x1, s1  }
0x8c: {  	s14 =	sshll.u32 s0, $0xA;
	s2 =	sadd.s32 s3, s2  }
0x8d: {  	s2 =	sadd.s32 s2, s14  }
0x8e: {  	[smem:$0x3FC6] =	sst s2  }
0x8f: {  	_ = 	snop  }
0x90: {  	s2 =	sld [smem:$0x3FD0];
	_ =	sdelay $0x2  }
0x91: {  	s15 =	simm.s32 $0xA;
	s4 =	simm.s32 $0x10  }
0x92: {  	[smem:s4], [sflag:s15] =	dma.local [hbm:s2], $0x1  }
0x93: {  	_ =	swait.eq [sflag:s15], $0x1  }
0x94: {  	[sflag:s15] =	ssyncset.done $0x0  }
0x95: {  	s16 =	sld [smem:$0x10];
	[sflag:s15] =	ssyncadd.s32 $0xFFFFFFFF  }
0x96: {  	s17 =	sld [smem:$0x11];
	(tm) =	ssettm $0x1  }
0x97: {  	s18 =	sld [smem:$0x3FFB];
	_ =	sdelay $0x3  }
0x98: {  	_ =	strace s18  }
0x99: {  	s4 =	sld [smem:$0x3FFC];
	_ =	sdelay $0x3  }
0x9a: {  	_ =	strace s4  }
0x9b: {  	s4 =	sld [smem:$0x3FFD];
	_ =	sdelay $0x3  }
0x9c: {  	_ =	strace s4  }
0x9d: {  	_ =	strace $0x8FFFFFFF  }
0x9e: {  	s19 =	sld [smem:$0x3FDB];
	_ =	sdelay $0x1  }
0x9f: {  	s5 =	simm.s32 $_scs_section_size  }
0xa0: {  	s6 =	simm.s32 $_size__tile_overlayer_lowered;
	s7 =	simm.s32 $_tile_overlayer_lowered  }
0xa1: {  	s22 =	simm.s32 $0x1BFF;
	s21 =	sshll.u32 s7, $0x1;
	s4 =	sadd.s32 s5, s19  }
0xa2: {  	s8 =	simm.s32 $0x0;
	s20 =	sshll.u32 s6, $0x1;
	s6 =	sadd.s32 s21, s4  }
0xa3: {  	[timem:s8], [sflag:s22] =	dma.local [hbm:s6], s20  }
0xa4: {  	_ =	swait.ge [sflag:s22], s20  }
0xa5: {  	s5 =	ssub.s32 $0x0, s20;
	[sflag:s22] =	ssyncset.done $0x0  }
0xa6: {  	[sflag:s22] =	ssyncadd.s32 s5;
	_ =	sdelay $0x1  }
0xa7: {  	s23 =	simm.s32 $0x1B8B  }
0xa8: {  	_ =	swait.ge [sflag:s23], $0x1  }
0xa9: {  	[sflag:s23] =	ssyncset.done $0x0  }
0xaa: {  	s25 =	simm.s32 $0x1B8E;
	s24 =	sld [smem:$0x3FFE];
	[sflag:s23] =	ssyncadd.s32 $0xFFFFFFFF  }
0xab: {  	s26 =	simm.s32 $execute0_lowered;
	[smem:$0x3FD2] =	sst s25  }
0xac: {  	s6 =	sshll.u32 s26, $0x1;
	_ =	strace $0x80000046;
	[dreg:$0x1] =	wrdreg $0xFFFFFFFF  }
0xad: {  	s28 =	simm.s32 $_size_execute0_lowered;
	s4 =	sadd.s32 s4, s6;
	[dreg:$0x0] =	wrdreg $0x0  }
0xae: {  	s6 =	sshll.u32 s28, $0x1;
	[dreg:$0x2] =	wrdreg s4  }
0xaf: {  	[dreg:$0x3] =	wrdreg s6  }
0xb0: {  	[dreg:$0x4] =	wrdreg $0xC0  }
0xb1: {  	_ =	task [dreg:s8], $0x5FFFF  }
0xb2: {  	[dreg:$0x1] =	wrdreg $0xFFFFFFFF  }
0xb3: {  	[dreg:$0x0] =	wrdreg $0x60  }
0xb4: {  	[dreg:$0x2] =	wrdreg s24  }
0xb5: {  	[dreg:$0x3] =	wrdreg s17  }
0xb6: {  	[dreg:$0x4] =	wrdreg s16  }
0xb7: {  	[dreg:$0x5] =	wrdreg $0x12E000  }
0xb8: {  	[dreg:$0x6] =	wrdreg $0x9  }
0xb9: {  	_ =	task.clear_ibuf [dreg:s8], $0x7FFFF;
	_ =	strace $0x90000046  }
0xba: {  	s29 =	simm.s32 $0x9;
	_ =	strace $0x80000048  }
0xbb: {  	_ =	swait.ge [sflag:s29], $0x1  }
0xbc: {  	[sflag:s29] =	ssyncadd.s32 $0xFFFFFFFF  }
0xbd: {  	_ =	strace $0x90000048  }
0xbe: {  	_ =	sfence  }
0xbf: {  	s30 =	sld [smem:$0x0];
	_ =	sdelay $0x2  }
0xc0: {  	s31 =	sshll.u32 s1, $0xD;
	s1 =	sshrl.u32 s1, $0x2  }
0xc1: {  	s3 =	sand.u32 $0x4000, s31;
	s1 =	sadd.s32 s1, s30  }
0xc2: {  	s0 =	sor.u32 s3, s0;
	s1 =	sshll.u32 s1, $0x11  }
0xc3: {  	s0 =	sor.u32 s1, s0  }
0xc4: {  	s0 =	sadd.s32 $0x8F2B, s0  }
0xc5: {  	[sflag:s0] =	ssyncadd.remote.s32 $0x1  }
0xc6: {  	_ =	sfence.sel $0xFFFF  }
0xc7: {  	[dreg:$0x0] =	wrdreg $0xFFFFFFFF;
	(pc) =	sbr.abs _section_cstart, $3  }
0xc8: {  	[dreg:$0x1] =	wrdreg $0xFFFFFFFF  }
0xc9: {  	_ =	task.clear_ibuf [dreg:s8], $0x2FFFF;
	_ =	strace $0x9FFFFFFF  }
0xca: {  	(tm) =	ssettm $0x7FFFFFFF  }
0xcb: {  	_ =	shalt  }
tec
execute0_lowered:
.L_overlay_start_1:
0x0: {  	(tag) =	ssettag $0x1  }
0x1: {  	s6 =	rddreg [dreg:$0x0]  }
0x2: {  	s1 =	srdreg.scid;
	v0 =	vimm.s32 $0x4380;
	vm0 =	vcmask $0x300;
	s8 =	rddreg [dreg:$0x1]  }
0x3: {  	s0 =	stileid.u32;
	vm14 =	vcmask $0x704;
	s9 =	rddreg [dreg:$0x2];
	v0 =	vsel vm0, $0x0, v0  }
0x4: {  	vm15 =	vcmask $0xB08;
	s11 =	rddreg [dreg:$0x3];
	s15 =	simm.s32 $0x2A00;
	s17 =	simm.s32 $0x12A00;
	v0 =	vsel vm14, $0x80, v0  }
0x5: {  	vm4 =	vcmask $0xF0C;
	s18 =	simm.s32 $0x0;
	s7 =	sand.u32 $0x1, s1;
	s2 =	sshrl.u32 s0, $0x1;
	v0 =	vsel vm15, $0x100, v0  }
0x6: {  	vm5 =	vcmask $0x1310;
	s16 =	sand.u32 $0x1, s0;
	s3 =	sadd.s32 $0xA00, s6;
	s13 =	sshll.u32 s0, $0xE;
	v0 =	vsel vm4, $0x180, v0  }
0x7: {  	vm6 =	vcmask $0x1714;
	s1 =	sshll.u32 s7, $0x3;
	s5 =	smul.u32 $0x32, s16;
	s7 =	ssub.s32 $0x2, s7;
	v0 =	vsel vm5, $0x200, v0  }
0x8: {  	vm7 =	vcmask $0x1B18;
	s31 =	sand.u32 $0x38000, s13;
	p0 =	seq.s32 s16, $0x0;
	s10 =	sor.u32 s2, s1;
	v0 =	vsel vm6, $0x280, v0  }
0x9: {  	vm8 =	vcmask $0x1F1C;
	s1 =	rddreg [dreg:$0x4];
	s2 =	simm.s32 $0x0;
	s29 =	sshrl.u32 s7, $0x1;
	v0 =	vsel vm7, $0x300, v0  }
0xa: {  	vm9 =	vcmask $0x2320;
	s16 =	simm.s32 @!p0 $0x0;
	s4 =	smul.u32 $0x64, s10;
	[smem:$0x7FF] =	sst s2;
	v0 =	vsel vm8, $0x380, v0  }
0xb: {  	vm10 =	vcmask $0x2724;
	s14 =	ssub.s32 s7, s29;
	s30 =	sshll.u32 s10, $0x8;
	s7 =	sadd.s32 s31, s11;
	v0 =	vsel vm9, $0x4000, v0  }
0xc: {  	vm11 =	vcmask $0x2B28;
	s10 =	sshll.u32 s10, $0xC;
	s16 =	simm.s32 @p0 $0x1;
	_ =	strace $0x80000047;
	v0 =	vsel vm10, $0x4080, v0  }
.Ltmp0:
0xd: {  	vm12 =	vcmask $0x2F2C;
	s9 =	sadd.s32 s9, s10;
	s4 =	sadd.s32 s5, s4;
	v0 =	vsel vm11, $0x4100, v0;
	(pc) =	sbr.rel .LBB2_1-.Ltmp0, $4  }
0xe: {  	vm13 =	vcmask $0x3330;
	[smem:$0x7FD] =	sst s16;
	s16 =	simm.s32 $0xAA00;
	s12 =	sshll.u32 s4, $0x1;
	v1 =	vsel vm12, $0x4180, v0  }
0xf: {  	v4 =	vimm.f32 $1.000000000e+00;
	vm14 =	vcmask $0x3734;
	s5 =	sadd.s32 $0x64A00, s6;
	s12 =	sadd.s32 s12, s6;
	s6 =	sadd.s32 s8, s30;
	v2 =	vsel vm13, $0x4200, v1  }
0x10: {  	vm15 =	vcmask $0x3B38;
	s8 =	sadd.s32 s13, s11;
	s11 =	smax.u32 s14, $0x1;
	s13 =	simm.s32 $0x12D80;
	v0 =	vlaneseq.u32;
	v3 =	vsel vm14, $0x4280, v2  }
0x11: {  	s14 =	simm.s32 $0x800;
	s10 =	sadd.s32 $0x64C00, s12;
	s12 =	simm.s32 $0x1;
	v1 =	vimm.f32 $0.0e+00;
	v2 =	vimm.s32 $0x0;
	v3 =	vsel vm15, $0x4300, v3  }
.LBB2_61:
0x12: {  	[spmem:s7] =	stream.linear.scatter [tilespmem:s15], [sflag:$0x1], $0x8000, $0x38;
	[tilespmem:$0x16E00] =	vst v63  }
0x13: {  	_ =	swait.ge [sflag:s12], $0x8000  }
0x14: {  	[sflag:s12] =	ssyncset.done $0x0  }
0x15: {  	[sflag:s12] =	ssyncadd.s32 $0xFFFF8000  }
0x16: {  	[bflag:$0x0] =	sbarrier.arrive $0xFFFF  }
.LBB2_102:
0x17: {  	s18 =	sadd.s32 $0x1, s18  }
0x18: {  	p0 =	sne.s32 s18, s11  }
.Ltmp1:
0x19: {  	_ = 	snop;
	(pc) =	sbr.rel @!p0 .LBB2_103-.Ltmp1, $4  }
0x1a: {  	[hbm4b:s10+s2] =	stream.linear.scatter [tilespmem:s17], [sflag:$0x1], $0x320, $0x38;
	[tilespmem:$0x16E00] =	vst v63  }
0x1b: {  	_ =	swait.ge [sflag:s12], $0x320  }
0x1c: {  	[sflag:s12] =	ssyncset.done $0x0  }
0x1d: {  	[sflag:s12] =	ssyncadd.s32 $0xFFFFFCE0  }
.LBB2_1:
0x1e: {  	[tilespmem:s2], [sflag:$0x1] =	stream.linear.gather [hbm4b:s6+s2], $0x800, $0x38;
	[tilespmem:$0x16E00] =	vst v63  }
0x1f: {  	_ =	swait.ge [sflag:s12], $0x800  }
0x20: {  	[sflag:s12] =	ssyncset.done $0x0  }
0x21: {  	[sflag:s12] =	ssyncadd.s32 $0xFFFFF800  }
0x22: {  	[tilespmem:s13], [sflag:$0x1] =	stream.linear.gather [hbm4b:s5+s2], $0x80, $0x38;
	[tilespmem:$0x16E00] =	vst v63  }
0x23: {  	_ =	swait.ge [sflag:s12], $0x80  }
0x24: {  	[sflag:s12] =	ssyncset.done $0x0  }
0x25: {  	s19 =	simm.s32 $0x0;
	[sflag:s12] =	ssyncadd.s32 $0xFFFFFF80  }
0x26: {  	v5 =	vld [tilespmem:s19+$0x0];
	_ =	sdelay $0x4  }
0x27: {  	v5 =	vsub.f32 $0.0e+00, v5;
	_ =	sdelay $0x1  }
0x28: {  	(xrf1) =	vsort.ascd.msk.f32 $0xffff, v5, v5;
	_ =	sdelay $0x7  }
0x29: {  	s31 =	simm.s32 $0x10  }
0x2a: {  	v5 =	vld [tilespmem:s31+$0x0];
	_ =	sdelay $0x4  }
0x2b: {  	v5 =	vsub.f32 $0.0e+00, v5;
	v6, _, _ =	vpop (xrf1)  }
0x2c: {  	v6 =	vsub.f32 $0.0e+00, v6  }
0x2d: {  	v7 =	vimm.f32 $-Inf;
	(xrf1) =	vsort.ascd.msk.f32 $0xffff, v5, v5  }
0x2e: {  	v5 =	vmax.f32 v7, v6  }
0x2f: {  	(xrf1) =	vsort.ascd.msk.f32 $0xffff, v5, v5;
	_ =	sdelay $0x5  }
0x30: {  	s20 =	simm.s32 $0x20;
	s19 =	simm.s32 $0xC0  }
.LBB2_2:
0x31: {  	p0 =	sne.s32 s19, $0x1FC0;
	v5 =	vld [tilespmem:s20+$0x0];
	_ =	sdelay $0x4  }
0x32: {  	v7 =	vsub.f32 $0.0e+00, v5;
	v6, _, _ =	vpop (xrf1)  }
0x33: {  	v6 =	vsub.f32 $0.0e+00, v6  }
0x34: {  	(xrf1) =	vsort.ascd.msk.f32 $0xffff, v7, v7;
	v5, _, _ =	vpop (xrf1)  }
0x35: {  	v5 =	vmax.f32 v5, v6  }
0x36: {  	(xrf1) =	vsort.ascd.msk.f32 $0xffff, v5, v5;
	_ =	sdelay $0x1  }
.Ltmp2:
0x37: {  	(pc) =	sbr.rel @p0 .LBB2_2-.Ltmp2, $2  }
0x38: {  	_ =	sdelay $0x2  }
0x39: {  	s20 =	sshra.s32 s19, $0x2;
	s19 =	sadd.s32 $0x40, s19  }
0x3a: {  	v5 =	vld [tilespmem:s20+$0x0];
	_ =	sdelay $0x4  }
0x3b: {  	v5 =	vsub.f32 $0.0e+00, v5;
	_ =	sdelay $0x1  }
0x3c: {  	v6, _, _ =	vpop (xrf1)  }
0x3d: {  	v6 =	vsub.f32 $0.0e+00, v6  }
0x3e: {  	(xrf1) =	vsort.ascd.msk.f32 $0xffff, v5, v5;
	v5, _, _ =	vpop (xrf1)  }
0x3f: {  	v5 =	vmax.f32 v5, v6  }
0x40: {  	(xrf1) =	vsort.ascd.msk.f32 $0xffff, v5, v5;
	_ =	sdelay $0xb  }
0x41: {  	v5, _, _ =	vpop (xrf1)  }
0x42: {  	v5 =	vsub.f32 $0.0e+00, v5  }
0x43: {  	v6, _, _ =	vpop (xrf1)  }
0x44: {  	v5 =	vmax.f32 v6, v5  }
0x45: {  	(xrf1) =	vsort.ascd.msk.f32 $0xffff, v5, v5;
	_ =	sdelay $0xb  }
0x46: {  	v5 =	vld [tilespmem:$0x12D80]  }
0x47: {  	s19 =	simm.s32 $0x0  }
0x48: {  	v7 =	vld [tilespmem:s19+$0x0];
	v6, _, _ =	vpop (xrf1)  }
0x49: {  	v6 =	vbroadcast v6, $0x0;
	_ =	sdelay $0x1  }
0x4a: {  	v5 =	vsub.f32 v6, v5;
	_ =	sdelay $0x1  }
0x4b: {  	vm0 =	vge.f32 v7, v5  }
0x4c: {  	v6 =	vmpcnt.ones.xlane vm0;
	_ =	sdelay $0x1  }
0x4d: {  	(v2sf) =	vpush v6, $0x0;
	_ =	sdelay $0x5  }
0x4e: {  	v7 =	vor.u32 s19, v0  }
0x4f: {  	s20 =	simm.s32 $0x10;
	[tilespmem:s19+$0x1000] =	vst.msk vm0, v7  }
0x50: {  	s22 =	simm.s32 $0x20;
	s21 =	simm.s32 $0x0;
	s23 =	simm.s32 $0x10;
	v6 =	vld [tilespmem:s20+$0x0]  }
.LBB2_4:
0x51: {  	p0 =	sne.s32 s22, $0x7F0;
	_ =	sdelay $0x3  }
0x52: {  	vm0 =	vge.f32 v6, v5  }
0x53: {  	v6 =	vmpcnt.ones.xlane vm0  }
0x54: {  	s24 =	spop (v2sf)  }
0x55: {  	v7 =	vor.u32 s20, v0;
	s20 =	smov.u32 s22;
	(v2sf) =	vpush v6, $0x0;
	s21 =	sadd.s32 s21, s24  }
0x56: {  	[tilespmem:s21+$0x1000] =	vst.msk vm0, v7;
	_ =	sdelay $0x2  }
.Ltmp3:
0x57: {  	(pc) =	sbr.rel @p0 .LBB2_4-.Ltmp3, $3  }
0x58: {  	_ =	sdelay $0x1  }
0x59: {  	s23 =	sadd.s32 $0x10, s23  }
0x5a: {  	s22 =	sadd.s32 $0x10, s22;
	v6 =	vld [tilespmem:s23+$0x0]  }
0x5b: {  	_ =	sdelay $0x3  }
0x5c: {  	vm0 =	vge.f32 v6, v5  }
0x5d: {  	v5 =	vmpcnt.ones.xlane vm0;
	_ =	sdelay $0x1  }
0x5e: {  	(v2sf) =	vpush v5, $0x0;
	_ =	sdelay $0xc  }
0x5f: {  	s22 =	simm.s32 $0x0;
	s23 =	spop (v2sf)  }
0x60: {  	s31 =	sand.u32 $0x3C00, s19;
	s30 =	sand.u32 $0x70, s22;
	v5 =	vor.u32 s20, v0;
	s29 =	sadd.s32 s21, s23  }
0x61: {  	s21 =	sor.u32 s30, s31;
	[tilespmem:s29+$0x1000] =	vst.msk vm0, v5;
	s24 =	spop (v2sf)  }
0x62: {  	[tilespmem:s21+$0x2A00] =	vst v1;
	s20 =	sadd.s32 s29, s24  }
.LBB2_6:
0x63: {  	s22 =	sadd.s32 $0x10, s22  }
0x64: {  	p0 =	slt.u32 s22, $0x7F0  }
.Ltmp4:
0x65: {  	_ = 	snop;
	(pc) =	sbr.rel @p0 .LBB2_6-.Ltmp4, $4  }
0x66: {  	s19 =	sadd.s32 $0x80, s19  }
0x67: {  	s21 =	sand.u32 $0x70, s22;
	s23 =	sand.u32 $0x3C00, s19  }
0x68: {  	s21 =	sor.u32 s21, s23  }
0x69: {  	[tilespmem:s21+$0x2A00] =	vst v1  }
0x6a: {  	s19 =	simm.s32 $0x0;
	s22 =	simm.s32 $0x0  }
0x6b: {  	s23 =	sand.u32 $0x70, s22;
	s21 =	sand.u32 $0x3C00, s19  }
0x6c: {  	s23 =	sor.u32 s23, s21  }
0x6d: {  	[tilespmem:s23+$0x2A80] =	vst v1;
	s23 =	simm.s32 $0x0  }
.LBB2_8:
0x6e: {  	s22 =	sadd.s32 $0x10, s22  }
0x6f: {  	p0 =	slt.u32 s22, $0x7F0  }
.Ltmp5:
0x70: {  	_ = 	snop;
	(pc) =	sbr.rel @p0 .LBB2_8-.Ltmp5, $4  }
0x71: {  	s23 =	sadd.s32 $0x80, s23  }
0x72: {  	s24 =	sand.u32 $0x70, s22;
	s25 =	sand.u32 $0x3C00, s23  }
0x73: {  	s24 =	sor.u32 s24, s25  }
0x74: {  	[tilespmem:s24+$0x2A80] =	vst v1  }
0x75: {  	s22 =	simm.s32 $0x0  }
0x76: {  	s23 =	sand.u32 $0x70, s22  }
0x77: {  	s21 =	sor.u32 s23, s21  }
0x78: {  	[tilespmem:s21+$0x2B00] =	vst v1  }
.LBB2_10:
0x79: {  	s22 =	sadd.s32 $0x10, s22  }
0x7a: {  	p0 =	slt.u32 s22, $0x7F0  }
.Ltmp6:
0x7b: {  	_ = 	snop;
	(pc) =	sbr.rel @p0 .LBB2_10-.Ltmp6, $4  }
0x7c: {  	s19 =	sadd.s32 $0x80, s19  }
0x7d: {  	s21 =	sand.u32 $0x70, s22;
	s23 =	sand.u32 $0x3C00, s19  }
0x7e: {  	s21 =	sor.u32 s21, s23  }
0x7f: {  	[tilespmem:s21+$0x2B00] =	vst v1  }
0x80: {  	s19 =	simm.s32 $0x0;
	s22 =	simm.s32 $0x0  }
0x81: {  	s23 =	sand.u32 $0x70, s22;
	s21 =	sand.u32 $0x3C00, s19  }
0x82: {  	s23 =	sor.u32 s23, s21  }
0x83: {  	[tilespmem:s23+$0x2B80] =	vst v1;
	s23 =	simm.s32 $0x0  }
.LBB2_12:
0x84: {  	s22 =	sadd.s32 $0x10, s22  }
0x85: {  	p0 =	slt.u32 s22, $0x7F0  }
.Ltmp7:
0x86: {  	_ = 	snop;
	(pc) =	sbr.rel @p0 .LBB2_12-.Ltmp7, $4  }
0x87: {  	s23 =	sadd.s32 $0x80, s23  }
0x88: {  	s24 =	sand.u32 $0x70, s22;
	s25 =	sand.u32 $0x3C00, s23  }
0x89: {  	s24 =	sor.u32 s24, s25  }
0x8a: {  	[tilespmem:s24+$0x2B80] =	vst v1  }
0x8b: {  	s22 =	simm.s32 $0x0  }
0x8c: {  	s23 =	sand.u32 $0x70, s22  }
0x8d: {  	s21 =	sor.u32 s23, s21  }
0x8e: {  	[tilespmem:s21+$0x2C00] =	vst v1  }
.LBB2_14:
0x8f: {  	s22 =	sadd.s32 $0x10, s22  }
0x90: {  	p0 =	slt.u32 s22, $0x7F0  }
.Ltmp8:
0x91: {  	_ = 	snop;
	(pc) =	sbr.rel @p0 .LBB2_14-.Ltmp8, $4  }
0x92: {  	s19 =	sadd.s32 $0x80, s19  }
0x93: {  	s21 =	sand.u32 $0x70, s22;
	s23 =	sand.u32 $0x3C00, s19  }
0x94: {  	s21 =	sor.u32 s21, s23  }
0x95: {  	[tilespmem:s21+$0x2C00] =	vst v1  }
0x96: {  	s19 =	simm.s32 $0x0;
	s22 =	simm.s32 $0x0  }
0x97: {  	s23 =	sand.u32 $0x70, s22;
	s21 =	sand.u32 $0x3C00, s19  }
0x98: {  	s23 =	sor.u32 s23, s21  }
0x99: {  	[tilespmem:s23+$0x2C80] =	vst v1;
	s23 =	simm.s32 $0x0  }
.LBB2_16:
0x9a: {  	s22 =	sadd.s32 $0x10, s22  }
0x9b: {  	p0 =	slt.u32 s22, $0x7F0  }
.Ltmp9:
0x9c: {  	_ = 	snop;
	(pc) =	sbr.rel @p0 .LBB2_16-.Ltmp9, $4  }
0x9d: {  	s23 =	sadd.s32 $0x80, s23  }
0x9e: {  	s24 =	sand.u32 $0x70, s22;
	s25 =	sand.u32 $0x3C00, s23  }
0x9f: {  	s24 =	sor.u32 s24, s25  }
0xa0: {  	[tilespmem:s24+$0x2C80] =	vst v1  }
0xa1: {  	s22 =	simm.s32 $0x0  }
0xa2: {  	s23 =	sand.u32 $0x70, s22  }
0xa3: {  	s21 =	sor.u32 s23, s21  }
0xa4: {  	[tilespmem:s21+$0x2D00] =	vst v1  }
.LBB2_18:
0xa5: {  	s22 =	sadd.s32 $0x10, s22  }
0xa6: {  	p0 =	slt.u32 s22, $0x7F0  }
.Ltmp10:
0xa7: {  	_ = 	snop;
	(pc) =	sbr.rel @p0 .LBB2_18-.Ltmp10, $4  }
0xa8: {  	s19 =	sadd.s32 $0x80, s19  }
0xa9: {  	s21 =	sand.u32 $0x70, s22;
	s23 =	sand.u32 $0x3C00, s19  }
0xaa: {  	s21 =	sor.u32 s21, s23  }
0xab: {  	[tilespmem:s21+$0x2D00] =	vst v1  }
0xac: {  	s19 =	simm.s32 $0x0  }
0xad: {  	s21 =	sand.u32 $0x7, s19  }
0xae: {  	s22 =	sshll.u32 s21, $0x4  }
0xaf: {  	s23 =	simm.s32 $0x0;
	s22 =	sadd.s32 $0x0, s22  }
0xb0: {  	s21 =	simm.s32 $0x0;
	s24 =	sor.u32 $0x380, s22;
	s22 =	simm.s32 $0x0  }
.LBB2_20:
0xb1: {  	s21 =	sadd.s32 $0x10, s21  }
0xb2: {  	[tilespmem:s24+$0x2A00] =	vst v1;
	s22 =	sadd.s32 $0x80, s22;
	s23 =	sadd.s32 $0x1, s23;
	p0 =	slt.u32 s21, $0x7F0  }
.Ltmp11:
0xb3: {  	(pc) =	sbr.rel @p0 .LBB2_20-.Ltmp11, $4  }
0xb4: {  	s24 =	sand.u32 $0x7, s23  }
0xb5: {  	s24 =	sshll.u32 s24, $0x4  }
0xb6: {  	s24 =	sadd.s32 s24, s22  }
0xb7: {  	s24 =	sor.u32 $0x380, s24  }
0xb8: {  	s21 =	simm.s32 $0x0  }
0xb9: {  	s23 =	sand.u32 $0x3C00, s19;
	s22 =	sand.u32 $0x70, s21  }
0xba: {  	[tilespmem:s24+$0x2A00] =	vst v1;
	s22 =	sor.u32 s22, s23  }
0xbb: {  	[tilespmem:s22+$0x6A00] =	vst v1  }
.LBB2_22:
0xbc: {  	s21 =	sadd.s32 $0x10, s21  }
0xbd: {  	p0 =	slt.u32 s21, $0x7F0  }
.Ltmp12:
0xbe: {  	_ = 	snop;
	(pc) =	sbr.rel @p0 .LBB2_22-.Ltmp12, $4  }
0xbf: {  	s19 =	sadd.s32 $0x80, s19  }
0xc0: {  	s22 =	sand.u32 $0x70, s21;
	s23 =	sand.u32 $0x3C00, s19  }
0xc1: {  	s22 =	sor.u32 s22, s23  }
0xc2: {  	[tilespmem:s22+$0x6A00] =	vst v1  }
0xc3: {  	s19 =	simm.s32 $0x0;
	s22 =	simm.s32 $0x0  }
0xc4: {  	s23 =	sand.u32 $0x70, s22;
	s21 =	sand.u32 $0x3C00, s19  }
0xc5: {  	s23 =	sor.u32 s23, s21  }
0xc6: {  	[tilespmem:s23+$0x6A80] =	vst v1;
	s23 =	simm.s32 $0x0  }
.LBB2_24:
0xc7: {  	s22 =	sadd.s32 $0x10, s22  }
0xc8: {  	p0 =	slt.u32 s22, $0x7F0  }
.Ltmp13:
0xc9: {  	_ = 	snop;
	(pc) =	sbr.rel @p0 .LBB2_24-.Ltmp13, $4  }
0xca: {  	s23 =	sadd.s32 $0x80, s23  }
0xcb: {  	s24 =	sand.u32 $0x70, s22;
	s25 =	sand.u32 $0x3C00, s23  }
0xcc: {  	s24 =	sor.u32 s24, s25  }
0xcd: {  	[tilespmem:s24+$0x6A80] =	vst v1  }
0xce: {  	s22 =	simm.s32 $0x0  }
0xcf: {  	s23 =	sand.u32 $0x70, s22  }
0xd0: {  	s21 =	sor.u32 s23, s21  }
0xd1: {  	[tilespmem:s21+$0x6B00] =	vst v1  }
.LBB2_26:
0xd2: {  	s22 =	sadd.s32 $0x10, s22  }
0xd3: {  	p0 =	slt.u32 s22, $0x7F0  }
.Ltmp14:
0xd4: {  	_ = 	snop;
	(pc) =	sbr.rel @p0 .LBB2_26-.Ltmp14, $4  }
0xd5: {  	s19 =	sadd.s32 $0x80, s19  }
0xd6: {  	s21 =	sand.u32 $0x70, s22;
	s23 =	sand.u32 $0x3C00, s19  }
0xd7: {  	s21 =	sor.u32 s21, s23  }
0xd8: {  	[tilespmem:s21+$0x6B00] =	vst v1  }
0xd9: {  	s19 =	simm.s32 $0x0;
	s22 =	simm.s32 $0x0  }
0xda: {  	s23 =	sand.u32 $0x70, s22;
	s21 =	sand.u32 $0x3C00, s19  }
0xdb: {  	s23 =	sor.u32 s23, s21  }
0xdc: {  	[tilespmem:s23+$0x6B80] =	vst v1;
	s23 =	simm.s32 $0x0  }
.LBB2_28:
0xdd: {  	s22 =	sadd.s32 $0x10, s22  }
0xde: {  	p0 =	slt.u32 s22, $0x7F0  }
.Ltmp15:
0xdf: {  	_ = 	snop;
	(pc) =	sbr.rel @p0 .LBB2_28-.Ltmp15, $4  }
0xe0: {  	s23 =	sadd.s32 $0x80, s23  }
0xe1: {  	s24 =	sand.u32 $0x70, s22;
	s25 =	sand.u32 $0x3C00, s23  }
0xe2: {  	s24 =	sor.u32 s24, s25  }
0xe3: {  	[tilespmem:s24+$0x6B80] =	vst v1  }
0xe4: {  	s22 =	simm.s32 $0x0  }
0xe5: {  	s23 =	sand.u32 $0x70, s22  }
0xe6: {  	s21 =	sor.u32 s23, s21  }
0xe7: {  	[tilespmem:s21+$0x6C00] =	vst v1  }
.LBB2_30:
0xe8: {  	s22 =	sadd.s32 $0x10, s22  }
0xe9: {  	p0 =	slt.u32 s22, $0x7F0  }
.Ltmp16:
0xea: {  	_ = 	snop;
	(pc) =	sbr.rel @p0 .LBB2_30-.Ltmp16, $4  }
0xeb: {  	s19 =	sadd.s32 $0x80, s19  }
0xec: {  	s21 =	sand.u32 $0x70, s22;
	s23 =	sand.u32 $0x3C00, s19  }
0xed: {  	s21 =	sor.u32 s21, s23  }
0xee: {  	[tilespmem:s21+$0x6C00] =	vst v1  }
0xef: {  	s19 =	simm.s32 $0x0;
	s22 =	simm.s32 $0x0  }
0xf0: {  	s23 =	sand.u32 $0x70, s22;
	s21 =	sand.u32 $0x3C00, s19  }
0xf1: {  	s23 =	sor.u32 s23, s21  }
0xf2: {  	[tilespmem:s23+$0x6C80] =	vst v1;
	s23 =	simm.s32 $0x0  }
.LBB2_32:
0xf3: {  	s22 =	sadd.s32 $0x10, s22  }
0xf4: {  	p0 =	slt.u32 s22, $0x7F0  }
.Ltmp17:
0xf5: {  	_ = 	snop;
	(pc) =	sbr.rel @p0 .LBB2_32-.Ltmp17, $4  }
0xf6: {  	s23 =	sadd.s32 $0x80, s23  }
0xf7: {  	s24 =	sand.u32 $0x70, s22;
	s25 =	sand.u32 $0x3C00, s23  }
0xf8: {  	s24 =	sor.u32 s24, s25  }
0xf9: {  	[tilespmem:s24+$0x6C80] =	vst v1  }
0xfa: {  	s22 =	simm.s32 $0x0  }
0xfb: {  	s23 =	sand.u32 $0x70, s22  }
0xfc: {  	s21 =	sor.u32 s23, s21  }
0xfd: {  	[tilespmem:s21+$0x6D00] =	vst v1  }
.LBB2_34:
0xfe: {  	s22 =	sadd.s32 $0x10, s22  }
0xff: {  	p0 =	slt.u32 s22, $0x7F0  }
.Ltmp18:
0x100: {  	_ = 	snop;
	(pc) =	sbr.rel @p0 .LBB2_34-.Ltmp18, $4  }
0x101: {  	s19 =	sadd.s32 $0x80, s19  }
0x102: {  	s21 =	sand.u32 $0x70, s22;
	s23 =	sand.u32 $0x3C00, s19  }
0x103: {  	s21 =	sor.u32 s21, s23  }
0x104: {  	[tilespmem:s21+$0x6D00] =	vst v1  }
0x105: {  	s19 =	simm.s32 $0x0;
	s21 =	simm.s32 $0x0  }
0x106: {  	s22 =	sand.u32 $0x70, s21;
	s23 =	sand.u32 $0x3C00, s19  }
0x107: {  	s22 =	sor.u32 s22, s23  }
0x108: {  	[tilespmem:s22+$0x6D80] =	vst v1  }
.LBB2_36:
0x109: {  	s21 =	sadd.s32 $0x10, s21  }
0x10a: {  	p0 =	slt.u32 s21, $0x7F0  }
.Ltmp19:
0x10b: {  	_ = 	snop;
	(pc) =	sbr.rel @p0 .LBB2_36-.Ltmp19, $4  }
0x10c: {  	s19 =	sadd.s32 $0x80, s19  }
0x10d: {  	s22 =	sand.u32 $0x70, s21;
	s23 =	sand.u32 $0x3C00, s19  }
0x10e: {  	s22 =	sor.u32 s22, s23  }
0x10f: {  	[tilespmem:s22+$0x6D80] =	vst v1  }
.Ltmp20:
0x110: {  	(pc) =	sbr.rel .LBB2_38-.Ltmp20, $4  }
0x111: {  	_ = 	snop  }
0x112: {  	s19 =	sadd.s32 $0xF, s20  }
0x113: {  	s19 =	sshra.s32 s19, $0x4  }
0x114: {  	v5 =	vmov s20;
	s20 =	simm.s32 $0x0;
	s21 =	simm.s32 $0x0;
	p1 =	slt.s32 s19, $0x1  }
.LBB2_54:
0x115: {  	s28 =	simm.s32 $0x0  }
0x116: {  	s26 =	simm.s32 $0x0;
	s25 =	simm.s32 $0x1880;
	s24 =	simm.s32 $0x0  }
.LBB2_58:
0x117: {  	s28 =	sadd.s32 @p2 $0x10, s28;
	s29 =	simm.s32 $0x0  }
0x118: {  	s29 =	smov.u32 @p2 s28  }
0x119: {  	v10 =	vor.u32 s29, v0  }
0x11a: {  	vm1 =	veq.s32 v8, $0x0;
	vm0 =	vlt.s32 v10, v7  }
0x11b: {  	vm1 =	vmand vm0, vm1  }
0x11c: {  	v7 =	vsel vm1, $0x1, v2  }
0x11d: {  	(xrf0) =	vadd.scan.msk.s32 $0xffff, v7;
	_ =	sdelay $0x2  }
0x11e: {  	s28 =	spop @p2 (v2sf)  }
0x11f: {  	s26 =	sadd.s32 @p2 s26, s28;
	s28 =	simm.s32 $0x0  }
0x120: {  	v7 =	vsel vm1, $0xFFFFFFFF, v2;
	s28 =	smov.u32 @p2 s26  }
0x121: {  	v7 =	vadd.s32 s28, v7;
	v63, _, _ =	vpop (xrf0)  }
0x122: {  	v7 =	vadd.s32 v63, v7  }
0x123: {  	vm2 =	veq.s32 v8, $0x1;
	vm3 =	vlt.s32 v7, v6  }
0x124: {  	vm0 =	vmand vm0, vm2;
	vm1 =	vmand vm1, vm3  }
0x125: {  	(v2sf) =	vpush @p2 v9, $0x0;
	vm0 =	vmor vm0, vm1  }
0x126: {  	v6 =	vmpcnt.ones.xlane vm0  }
0x127: {  	(v2sf) =	vpush v63, $0xF  }
0x128: {  	(v2sf) =	vpush v6, $0x0;
	_ =	sdelay $0x7  }
0x129: {  	s25 =	sadd.s32 @p2 $0x10, s25  }
0x12a: {  	s23 =	smov.u32 @p2 s25  }
0x12b: {  	v6 =	vld [tilespmem:s23+$0x0];
	_ =	sdelay $0x1  }
0x12c: {  	s23 =	spop @p2 (v2sf)  }
0x12d: {  	s23 =	sadd.s32 @p2 s24, s23  }
0x12e: {  	s22 =	smov.u32 @p2 s23;
	s30 =	spop (v2sf)  }
0x12f: {  	[tilespmem:s22+$0x2980] =	vst.msk vm0, v6;
	s31 =	spop (v2sf)  }
.LBB2_59:
0x130: {  	v6 =	vld [tilespmem:$0x2980];
	_ =	sdelay $0x4  }
0x131: {  	v7 =	vshll.u32 v6, $0x3  }
0x132: {  	v8 =	vand.u32 $0x7F, v6;
	v7 =	vand.u32 $0xFFFFFC00, v7  }
0x133: {  	s22 =	sshll.u32 s21, $0x4;
	s21 =	sadd.s32 $0x1, s21;
	v7 =	vor.u32 v8, v7  }
0x134: {  	p0 =	sne.s32 s21, $0x32;
	v7 =	vadd.s32 v3, v7  }
.Ltmp21:
0x135: {  	_ = 	snop;
	(pc) =	sbr.rel @!p0 .LBB2_60-.Ltmp21, $4  }
0x136: {  	_ = 	snop  }
0x137: {  	s22 =	sand.u32 $0x3FFFFFF0, s22  }
0x138: {  	[tilespmem:s22+$0x12A00] =	vst v6  }
0x139: {  	[tilespmem:v7+s15+$0x0] =	vst.idx.add.f32.msk $0xffff, v4  }
.LBB2_38:
0x13a: {  	s22 =	sadd.s32 s21, s4  }
0x13b: {  	s22 =	sshll.u32 s22, $0x8  }
0x13c: {  	s22 =	sand.u32 $0x1FFFFF00, s22  }
.Ltmp22:
0x13d: {  	s22 =	sadd.s32 s3, s22;
	(pc) =	sbr.rel @p1 .LBB2_59-.Ltmp22, $4  }
0x13e: {  	[tilespmem:s14], [sflag:$0x1] =	stream.linear.gather [hbm4b:s22+s20], $0x800, $0x38;
	[tilespmem:$0x16E00] =	vst v63  }
0x13f: {  	_ =	swait.ge [sflag:s12], $0x800  }
0x140: {  	[sflag:s12] =	ssyncset.done $0x0  }
0x141: {  	[sflag:s12] =	ssyncadd.s32 $0xFFFFF800  }
0x142: {  	p3 =	sne.s32 s19, $0x1  }
.Ltmp23:
0x143: {  	_ = 	snop;
	(pc) =	sbr.rel @!p3 .LBB2_40-.Ltmp23, $3  }
0x144: {  	_ =	sdelay $0x1  }
0x145: {  	s23 =	simm.s32 $0x1000;
	s22 =	sadd.s32 $0xFFFFFFFF, s19  }
0x146: {  	v6 =	vimm.f32 $-Inf;
	p4 =	por $0x0, $0x0;
	p5 =	por $0x0, $0x0;
	p2 =	por $0x0, $0x0;
	v7 =	vld [tilespmem:s23+$0x0]  }
0x147: {  	_ =	sdelay $0x1  }
0x148: {  	v8 =	vor.u32 s20, v0  }
0x149: {  	vm0 =	vlt.s32 v8, v5  }
0x14a: {  	v7 =	vnsel vm0, $0x0, v7;
	_ =	sdelay $0x4  }
0x14b: {  	p0 =	sne.s32 s22, $0x1;
	v8 =	vld.idx.msk [tilespmem:v7+s14+$0x0], $0xffff  }
.Ltmp24:
0x14c: {  	_ = 	snop;
	(pc) =	sbr.rel @!p0 .LBB2_42-.Ltmp24, $3  }
0x14d: {  	_ =	sdelay $0x1  }
0x14e: {  	s24 =	simm.s32 $0x1010  }
0x14f: {  	s25 =	sadd.s32 $0xFFFFFFFF, s22;
	p4 =	por $0x1, $0x1;
	v7 =	vld [tilespmem:s24+$0x0];
	v8 =	vsub.f32 $0.0e+00, v8  }
0x150: {  	_ = 	snop  }
0x151: {  	s24 =	simm.s32 $0x10  }
0x152: {  	v9 =	vor.u32 s24, v0  }
0x153: {  	v8 =	vnsel vm0, $0x7F800000, v8;
	vm0 =	vlt.s32 v9, v5  }
0x154: {  	v7 =	vnsel vm0, $0x0, v7;
	_ =	sdelay $0x4  }
0x155: {  	p0 =	sne.s32 s25, $0x1;
	v9 =	vld.idx.msk [tilespmem:v7+s14+$0x0], $0xffff  }
.Ltmp25:
0x156: {  	_ = 	snop;
	(pc) =	sbr.rel @!p0 .LBB2_44-.Ltmp25, $3  }
0x157: {  	_ =	sdelay $0x1  }
0x158: {  	s26 =	simm.s32 $0x1020  }
0x159: {  	p5 =	por $0x1, $0x1;
	(xrf1) =	vsort.ascd.msk.f32 $0xffff, v8, v8;
	v7 =	vld [tilespmem:s26+$0x0];
	s26 =	sadd.s32 $0xFFFFFFFF, s25;
	v8 =	vsub.f32 $0.0e+00, v9  }
0x15a: {  	_ =	sdelay $0x4  }
0x15b: {  	s24 =	simm.s32 $0x20  }
0x15c: {  	v9 =	vor.u32 s24, v0  }
0x15d: {  	v8 =	vnsel vm0, $0x7F800000, v8;
	vm0 =	vlt.s32 v9, v5  }
0x15e: {  	v7 =	vnsel vm0, $0x0, v7;
	_ =	sdelay $0x4  }
0x15f: {  	v9 =	vld.idx.msk [tilespmem:v7+s14+$0x0], $0xffff;
	v7, _, _ =	vpop (xrf1)  }
0x160: {  	v7 =	vsub.f32 $0.0e+00, v7  }
0x161: {  	(xrf1) =	vsort.ascd.msk.f32 $0xffff, v8, v8  }
0x162: {  	v7 =	vmax.f32 v6, v7  }
0x163: {  	(xrf1) =	vsort.ascd.msk.f32 $0xffff, v7, v7;
	_ =	sdelay $0x5  }
0x164: {  	p0 =	sne.s32 s26, $0x1  }
.Ltmp26:
0x165: {  	_ = 	snop;
	(pc) =	sbr.rel @!p0 .LBB2_47-.Ltmp26, $3  }
0x166: {  	_ =	sdelay $0x1  }
0x167: {  	s25 =	simm.s32 $0x1030  }
0x168: {  	s26 =	sadd.s32 $0xFFFFFFFF, s26;
	p6 =	por $0x1, $0x1;
	v8 =	vsub.f32 $0.0e+00, v9;
	v7 =	vld [tilespmem:s25+$0x0]  }
.LBB2_46:
0x169: {  	p0 =	sne.s32 s26, $0x1;
	v9, _, _ =	vpop (xrf1)  }
0x16a: {  	s24 =	sadd.s32 $0x10, s24;
	v11 =	vnsel vm0, $0x7F800000, v8;
	v9 =	vsub.f32 $0.0e+00, v9  }
0x16b: {  	v10 =	vor.u32 s24, v0;
	(xrf1) =	vsort.ascd.msk.f32 $0xffff, v11, v11;
	v8, _, _ =	vpop (xrf1)  }
0x16c: {  	vm0 =	vlt.s32 v10, v5;
	v8 =	vmax.f32 v8, v9  }
0x16d: {  	v7 =	vnsel vm0, $0x0, v7;
	(xrf1) =	vsort.ascd.msk.f32 $0xffff, v8, v8;
	_ =	sdelay $0x4  }
0x16e: {  	v8 =	vld.idx.msk [tilespmem:v7+s14+$0x0], $0xffff;
	_ =	sdelay $0x1  }
.Ltmp27:
0x16f: {  	(pc) =	sbr.rel @p0 .LBB2_46-.Ltmp27, $3  }
0x170: {  	_ =	sdelay $0x1  }
0x171: {  	s25 =	sadd.s32 $0x10, s25  }
0x172: {  	s26 =	sadd.s32 $0xFFFFFFFF, s26;
	v8 =	vsub.f32 $0.0e+00, v8;
	v7 =	vld [tilespmem:s25+$0x0]  }
.LBB2_47:
0x173: {  	_ = 	snop  }
0x174: {  	v9, _, _ =	vpop @p5 (xrf1)  }
0x175: {  	v9 =	vsub.f32 @p5 $0.0e+00, v9;
	v10, _, _ =	vpop @p6 (xrf1)  }
0x176: {  	v8 =	vnsel @p4 vm0, $0x7F800000, v8;
	v10 =	vpsel p6, v10, v6  }
0x177: {  	s24 =	sadd.s32 @p4 $0x10, s24;
	s25 =	simm.s32 $0x0;
	(xrf1) =	vsort.ascd.msk.f32 @p4 $0xffff, v8, v8;
	v8 =	vmax.f32 @p5 v10, v9  }
0x178: {  	s25 =	smov.u32 @p4 s24;
	(xrf1) =	vsort.ascd.msk.f32 @p5 $0xffff, v8, v8  }
0x179: {  	v8 =	vor.u32 s25, v0  }
0x17a: {  	vm15 =	vlt.s32 v8, v5  }
0x17b: {  	v7 =	vnsel vm15, $0x0, v7;
	_ =	sdelay $0x4  }
0x17c: {  	v7 =	vld.idx.msk [tilespmem:v7+s14+$0x0], $0xffff;
	_ =	sdelay $0x4  }
0x17d: {  	v8, _, _ =	vpop @p4 (xrf1);
	v7 =	vsub.f32 $0.0e+00, v7  }
0x17e: {  	v8 =	vsub.f32 @p4 $0.0e+00, v8;
	v9, _, _ =	vpop @p5 (xrf1)  }
0x17f: {  	v7 =	vnsel vm15, $0x7F800000, v7;
	v9 =	vpsel p5, v9, v6  }
0x180: {  	(xrf1) =	vsort.ascd.msk.f32 $0xffff, v7, v7;
	v7 =	vmax.f32 @p4 v9, v8  }
0x181: {  	(xrf1) =	vsort.ascd.msk.f32 @p4 $0xffff, v7, v7;
	_ =	sdelay $0xc  }
0x182: {  	v7, _, _ =	vpop (xrf1)  }
0x183: {  	v7 =	vsub.f32 $0.0e+00, v7;
	v8, _, _ =	vpop @p4 (xrf1)  }
0x184: {  	v6 =	vpsel p4, v8, v6  }
0x185: {  	v6 =	vmax.f32 v6, v7  }
0x186: {  	(xrf1) =	vsort.ascd.msk.f32 $0xffff, v6, v6;
	_ =	sdelay $0xa  }
.Ltmp28:
0x187: {  	_ = 	snop;
	(pc) =	sbr.rel @!p3 .LBB2_48-.Ltmp28, $3  }
0x188: {  	_ =	sdelay $0x1  }
0x189: {  	v6, _, _ =	vpop (xrf1)  }
0x18a: {  	s24 =	simm.s32 $0x0;
	v7 =	vld [tilespmem:s23+$0x0];
	v6 =	vbroadcast v6, $0x0  }
0x18b: {  	_ =	sdelay $0x1  }
0x18c: {  	v8 =	vor.u32 s24, v0  }
0x18d: {  	vm0 =	vlt.s32 v8, v5  }
0x18e: {  	v7 =	vnsel vm0, $0x0, v7;
	_ =	sdelay $0x4  }
0x18f: {  	v8 =	vld.idx.msk [tilespmem:v7+s14+$0x0], $0xffff;
	_ =	sdelay $0x4  }
0x190: {  	p0 =	sne.s32 s22, $0x1;
	v8 =	vnsel vm0, $0xFF800000, v8  }
.Ltmp29:
0x191: {  	vm1 =	vge.f32 v8, v6;
	vm2 =	vgt.f32 v8, v6;
	(pc) =	sbr.rel @!p0 .LBB2_50-.Ltmp29, $4  }
0x192: {  	vm1 =	vmand vm0, vm1;
	vm0 =	vmand vm0, vm2  }
0x193: {  	[tilespmem:s24+$0x1880] =	vst.msk vm1, v7;
	v7 =	vsel vm0, $0x1, v2;
	v9 =	vmpcnt.ones.xlane vm1  }
0x194: {  	s26 =	simm.s32 $0x1010;
	s28 =	sadd.s32 $0xFFFFFFFF, s22;
	p2 =	por $0x1, $0x1;
	v8 =	vmpcnt.ones.xlane vm0;
	[tilespmem:s24+$0x2100] =	vst.msk vm1, v7  }
0x195: {  	s25 =	simm.s32 $0x0;
	s23 =	simm.s32 $0x0;
	s22 =	simm.s32 $0x0;
	v7 =	vld [tilespmem:s26+$0x0];
	(v2sf) =	vpush v9, $0x0  }
.LBB2_51:
0x196: {  	p3 =	sne.s32 s28, $0x1;
	(v2sf) =	vpush v8, $0x0  }
0x197: {  	s25 =	sadd.s32 $0x10, s25  }
0x198: {  	v8 =	vor.u32 s25, v0  }
0x199: {  	vm0 =	vlt.s32 v8, v5  }
0x19a: {  	v7 =	vnsel vm0, $0x0, v7;
	_ =	sdelay $0x4  }
0x19b: {  	v8 =	vld.idx.msk [tilespmem:v7+s14+$0x0], $0xffff;
	_ =	sdelay $0x4  }
0x19c: {  	s29 =	spop (v2sf)  }
0x19d: {  	v8 =	vnsel vm0, $0xFF800000, v8;
	s23 =	sadd.s32 s23, s29;
	s29 =	spop (v2sf)  }
.Ltmp30:
0x19e: {  	vm1 =	vge.f32 v8, v6;
	vm2 =	vgt.f32 v8, v6;
	s22 =	sadd.s32 s22, s29;
	(pc) =	sbr.rel @p3 .LBB2_51-.Ltmp30, $4  }
0x19f: {  	vm1 =	vmand vm0, vm1;
	vm0 =	vmand vm0, vm2  }
0x1a0: {  	v9 =	vmpcnt.ones.xlane vm1;
	v8 =	vmpcnt.ones.xlane vm0;
	[tilespmem:s23+$0x1880] =	vst.msk vm1, v7;
	v7 =	vsel vm0, $0x1, v2  }
0x1a1: {  	s26 =	sadd.s32 $0x10, s26;
	[tilespmem:s23+$0x2100] =	vst.msk vm1, v7  }
0x1a2: {  	s28 =	sadd.s32 $0xFFFFFFFF, s28;
	v7 =	vld [tilespmem:s26+$0x0];
	(v2sf) =	vpush v9, $0x0  }
.LBB2_52:
0x1a3: {  	s25 =	sadd.s32 @p2 $0x10, s25;
	s26 =	simm.s32 $0x0  }
0x1a4: {  	s26 =	smov.u32 @p2 s25  }
0x1a5: {  	v9 =	vor.u32 s26, v0  }
0x1a6: {  	vm0 =	vlt.s32 v9, v5  }
0x1a7: {  	v7 =	vnsel vm0, $0x0, v7;
	_ =	sdelay $0x4  }
0x1a8: {  	v63 =	vld.idx.msk [tilespmem:v7+s14+$0x0], $0xffff;
	_ =	sdelay $0x4  }
0x1a9: {  	v9 =	vnsel vm0, $0xFF800000, v63  }
0x1aa: {  	vm1 =	vge.f32 v9, v6  }
0x1ab: {  	vm1 =	vmand vm0, vm1  }
0x1ac: {  	v10 =	vmpcnt.ones.xlane vm1  }
0x1ad: {  	(v2sf) =	vpush @p2 v8, $0x0  }
0x1ae: {  	(v2sf) =	vpush v10, $0x0;
	_ =	sdelay $0x3  }
0x1af: {  	vm2 =	vgt.f32 v9, v6  }
0x1b0: {  	vm0 =	vmand vm0, vm2  }
0x1b1: {  	v6 =	vmpcnt.ones.xlane vm0;
	_ =	sdelay $0x1  }
0x1b2: {  	(v2sf) =	vpush v6, $0x0;
	_ =	sdelay $0x4  }
0x1b3: {  	s25 =	spop @p2 (v2sf)  }
0x1b4: {  	s29 =	simm.s32 $0x0;
	s28 =	spop @p2 (v2sf);
	s23 =	sadd.s32 @p2 s23, s25  }
0x1b5: {  	s29 =	smov.u32 @p2 s23;
	s30 =	spop (v2sf)  }
0x1b6: {  	s26 =	sadd.s32 s29, s30  }
0x1b7: {  	s23 =	sadd.s32 $0xF, s26  }
0x1b8: {  	s25 =	sshra.s32 s23, $0x4  }
0x1b9: {  	p0 =	slt.s32 s25, $0x1  }
.Ltmp31:
0x1ba: {  	_ = 	snop;
	(pc) =	sbr.rel @p0 .LBB2_59-.Ltmp31, $4  }
0x1bb: {  	_ = 	snop  }
0x1bc: {  	s22 =	sadd.s32 @p2 s22, s28  }
0x1bd: {  	[tilespmem:s29+$0x1880] =	vst.msk vm1, v7;
	s24 =	smov.u32 @p2 s22;
	v6 =	vsel vm0, $0x1, v2;
	s31 =	spop (v2sf)  }
0x1be: {  	[tilespmem:s29+$0x2100] =	vst.msk vm1, v6;
	s22 =	sadd.s32 s24, s31  }
0x1bf: {  	p0 =	sne.s32 s25, $0x1  }
.Ltmp32:
0x1c0: {  	_ = 	snop;
	(pc) =	sbr.rel @!p0 .LBB2_54-.Ltmp32, $4  }
0x1c1: {  	_ = 	snop  }
0x1c2: {  	s24 =	simm.s32 $0x2100  }
0x1c3: {  	s22 =	ssub.s32 $0x10, s22;
	s23 =	simm.s32 $0x1880;
	v8 =	vld [tilespmem:s24+$0x0]  }
0x1c4: {  	v7 =	vmov s26;
	p2 =	por $0x0, $0x0;
	v6 =	vmov s22;
	s22 =	simm.s32 $0x0;
	s24 =	sadd.s32 $0xFFFFFFFF, s25  }
0x1c5: {  	_ =	sdelay $0x1  }
0x1c6: {  	v9 =	vor.u32 s22, v0  }
0x1c7: {  	vm0 =	vlt.s32 v9, v7;
	vm1 =	veq.s32 v8, $0x0  }
0x1c8: {  	vm1 =	vmand vm0, vm1  }
0x1c9: {  	v9 =	vsel vm1, $0x1, v2  }
0x1ca: {  	(xrf0) =	vadd.scan.msk.s32 $0xffff, v9;
	_ =	sdelay $0x4  }
0x1cb: {  	v9 =	vsel vm1, $0xFFFFFFFF, v2  }
0x1cc: {  	v10 =	vld [tilespmem:s23+$0x0];
	v9 =	vadd.s32 s22, v9;
	v11, _, _ =	vpop (xrf0)  }
0x1cd: {  	v9 =	vadd.s32 v11, v9  }
0x1ce: {  	p0 =	sne.s32 s24, $0x1;
	vm2 =	veq.s32 v8, $0x1;
	(v2sf) =	vpush v11, $0xF;
	vm3 =	vlt.s32 v9, v6  }
.Ltmp33:
0x1cf: {  	vm0 =	vmand vm0, vm2;
	vm1 =	vmand vm1, vm3;
	(pc) =	sbr.rel @!p0 .LBB2_56-.Ltmp33, $4  }
0x1d0: {  	vm0 =	vmor vm0, vm1  }
0x1d1: {  	s29 =	simm.s32 $0x2110;
	[tilespmem:s22+$0x2980] =	vst.msk vm0, v10  }
0x1d2: {  	s30 =	sadd.s32 $0xFFFFFFFF, s24;
	p2 =	por $0x1, $0x1;
	s28 =	simm.s32 $0x0;
	v9 =	vmpcnt.ones.xlane vm0;
	v8 =	vld [tilespmem:s29+$0x0]  }
0x1d3: {  	s26 =	simm.s32 $0x0;
	s25 =	simm.s32 $0x1880;
	s24 =	simm.s32 $0x0  }
.LBB2_57:
0x1d4: {  	p3 =	sne.s32 s30, $0x1;
	(v2sf) =	vpush v9, $0x0;
	_ =	sdelay $0x1  }
0x1d5: {  	s28 =	sadd.s32 $0x10, s28  }
0x1d6: {  	v9 =	vor.u32 s28, v0  }
0x1d7: {  	vm1 =	veq.s32 v8, $0x0;
	vm0 =	vlt.s32 v9, v7  }
0x1d8: {  	vm1 =	vmand vm0, vm1  }
0x1d9: {  	v9 =	vsel vm1, $0x1, v2  }
0x1da: {  	(xrf0) =	vadd.scan.msk.s32 $0xffff, v9;
	_ =	sdelay $0x1  }
0x1db: {  	s31 =	spop (v2sf)  }
0x1dc: {  	s26 =	sadd.s32 s26, s31;
	_ =	sdelay $0x1  }
0x1dd: {  	s25 =	sadd.s32 $0x10, s25;
	v9 =	vsel vm1, $0xFFFFFFFF, v2  }
0x1de: {  	v9 =	vadd.s32 s26, v9;
	v10 =	vld [tilespmem:s25+$0x0];
	v11, _, _ =	vpop (xrf0)  }
0x1df: {  	v9 =	vadd.s32 v11, v9;
	(v2sf) =	vpush v11, $0xF  }
.Ltmp34:
0x1e0: {  	vm2 =	veq.s32 v8, $0x1;
	vm3 =	vlt.s32 v9, v6;
	s31 =	spop (v2sf);
	(pc) =	sbr.rel @p3 .LBB2_57-.Ltmp34, $4  }
0x1e1: {  	vm0 =	vmand vm0, vm2;
	vm1 =	vmand vm1, vm3;
	s24 =	sadd.s32 s24, s31  }
0x1e2: {  	vm0 =	vmor vm0, vm1  }
0x1e3: {  	s29 =	sadd.s32 $0x10, s29;
	[tilespmem:s24+$0x2980] =	vst.msk vm0, v10;
	v9 =	vmpcnt.ones.xlane vm0  }
0x1e4: {  	s30 =	sadd.s32 $0xFFFFFFFF, s30;
	v8 =	vld [tilespmem:s29+$0x0]  }
.Ltmp35:
0x1e5: {  	_ = 	snop;
	(pc) =	sbr.rel .LBB2_58-.Ltmp35, $1  }
0x1e6: {  	_ =	sdelay $0x3  }
.LBB2_40:
.Ltmp36:
0x1e7: {  	(pc) =	sbr.rel .LBB2_47-.Ltmp36, $2  }
0x1e8: {  	_ =	sdelay $0x2  }
0x1e9: {  	s24 =	simm.s32 $0x0;
	p6 =	por $0x0, $0x0  }
.LBB2_48:
.Ltmp37:
0x1ea: {  	(pc) =	sbr.rel .LBB2_52-.Ltmp37, $2  }
0x1eb: {  	_ =	sdelay $0x2  }
0x1ec: {  	s25 =	simm.s32 $0x0;
	s23 =	simm.s32 $0x0;
	s22 =	simm.s32 $0x0  }
.LBB2_42:
.Ltmp38:
0x1ed: {  	(pc) =	sbr.rel .LBB2_47-.Ltmp38, $2  }
0x1ee: {  	_ =	sdelay $0x2  }
0x1ef: {  	s24 =	simm.s32 $0x0;
	p6 =	por $0x0, $0x0  }
.LBB2_50:
.Ltmp39:
0x1f0: {  	(pc) =	sbr.rel .LBB2_52-.Ltmp39, $2  }
0x1f1: {  	_ =	sdelay $0x2  }
0x1f2: {  	s25 =	simm.s32 $0x0;
	s23 =	simm.s32 $0x0;
	s22 =	simm.s32 $0x0  }
.LBB2_44:
.Ltmp40:
0x1f3: {  	(pc) =	sbr.rel .LBB2_47-.Ltmp40, $2  }
0x1f4: {  	_ =	sdelay $0x2  }
0x1f5: {  	p6 =	por $0x0, $0x0  }
.LBB2_56:
.Ltmp41:
0x1f6: {  	(pc) =	sbr.rel .LBB2_58-.Ltmp41, $3  }
0x1f7: {  	_ =	sdelay $0x1  }
0x1f8: {  	s28 =	simm.s32 $0x0  }
0x1f9: {  	s26 =	simm.s32 $0x0;
	s25 =	simm.s32 $0x1880;
	s24 =	simm.s32 $0x0  }
.LBB2_60:
0x1fa: {  	s19 =	sld [smem:$0x7FD];
	_ =	sdelay $0x2  }
0x1fb: {  	p0 =	seq.s32 s19, $0x1  }
.Ltmp42:
0x1fc: {  	_ = 	snop;
	(pc) =	sbr.rel @!p0 .LBB2_61-.Ltmp42, $1  }
0x1fd: {  	_ =	sdelay $0x3  }
0x1fe: {  	[bflag:$0x0] =	sbarrier.arrive $0xFFFF  }
0x1ff: {  	[tilespmem:s16], [sflag:$0x1] =	stream.linear.gather [spmem:s8], $0x8000, $0x38;
	[tilespmem:$0x16E00] =	vst v63  }
0x200: {  	s20 =	simm.s32 $0x0;
	s19 =	simm.s32 $0x0;
	_ =	swait.ge [sflag:s12], $0x8000  }
0x201: {  	s19 =	sand.u32 $0x70, s19;
	s20 =	sand.u32 $0x3C00, s20;
	[sflag:s12] =	ssyncset.done $0x0  }
0x202: {  	s21 =	sor.u32 s19, s20;
	[sflag:s12] =	ssyncadd.s32 $0xFFFF8000  }
0x203: {  	v5 =	vld [tilespmem:s21+$0x2A00]  }
0x204: {  	v6 =	vld [tilespmem:s21+$0xAA00];
	_ =	sdelay $0x2  }
0x205: {  	s22 =	simm.s32 $0x10;
	s24 =	simm.s32 $0x80  }
0x206: {  	s23 =	sand.u32 $0x70, s22;
	s25 =	sand.u32 $0x3C00, s24  }
0x207: {  	s23 =	sor.u32 s23, s25;
	v7 =	vadd.f32 v6, v5  }
0x208: {  	v5 =	vld [tilespmem:s23+$0x2A00]  }
0x209: {  	v6 =	vld [tilespmem:s23+$0xAA00];
	v7 =	vmul.f32 $9.999999770e-03, v7  }
.LBB2_63:
0x20a: {  	s22 =	sadd.s32 $0x10, s22  }
0x20b: {  	s24 =	sadd.s32 $0x80, s24;
	p0 =	slt.u32 s22, $0x7F0  }
.Ltmp43:
0x20c: {  	s25 =	sand.u32 $0x70, s22;
	s26 =	sand.u32 $0x3C00, s24;
	[tilespmem:s21+$0x2A00] =	vst v7;
	(pc) =	sbr.rel @p0 .LBB2_63-.Ltmp43, $4  }
0x20d: {  	s21 =	smov.u32 s23;
	s23 =	sor.u32 s25, s26  }
0x20e: {  	v7 =	vadd.f32 v6, v5;
	v5 =	vld [tilespmem:s23+$0x2A00]  }
0x20f: {  	v6 =	vld [tilespmem:s23+$0xAA00]  }
0x210: {  	v7 =	vmul.f32 $9.999999770e-03, v7  }
0x211: {  	_ =	sdelay $0x2  }
0x212: {  	v5 =	vadd.f32 v6, v5;
	_ =	sdelay $0x1  }
0x213: {  	v5 =	vmul.f32 $9.999999770e-03, v5  }
0x214: {  	[tilespmem:s21+$0x2A00] =	vst v7  }
0x215: {  	s19 =	sor.u32 s20, s19;
	[tilespmem:s23+$0x2A00] =	vst v5  }
0x216: {  	v5 =	vld [tilespmem:s19+$0x2A80]  }
0x217: {  	v6 =	vld [tilespmem:s19+$0xAA80];
	_ =	sdelay $0x2  }
0x218: {  	s22 =	simm.s32 $0x80;
	s21 =	simm.s32 $0x10  }
0x219: {  	s31 =	sand.u32 $0x3C00, s22;
	s30 =	sand.u32 $0x70, s21  }
0x21a: {  	s20 =	sor.u32 s31, s30;
	v7 =	vadd.f32 v6, v5  }
0x21b: {  	v5 =	vld [tilespmem:s20+$0x2A80]  }
0x21c: {  	v6 =	vld [tilespmem:s20+$0xAA80];
	v7 =	vmul.f32 $9.999999770e-03, v7  }
.LBB2_65:
0x21d: {  	s21 =	sadd.s32 $0x10, s21  }
0x21e: {  	s22 =	sadd.s32 $0x80, s22;
	p0 =	slt.u32 s21, $0x7F0  }
.Ltmp44:
0x21f: {  	s23 =	sand.u32 $0x70, s21;
	s24 =	sand.u32 $0x3C00, s22;
	[tilespmem:s19+$0x2A80] =	vst v7;
	(pc) =	sbr.rel @p0 .LBB2_65-.Ltmp44, $4  }
0x220: {  	s19 =	smov.u32 s20;
	s20 =	sor.u32 s24, s23  }
0x221: {  	v7 =	vadd.f32 v6, v5;
	v5 =	vld [tilespmem:s20+$0x2A80]  }
0x222: {  	v6 =	vld [tilespmem:s20+$0xAA80]  }
0x223: {  	v7 =	vmul.f32 $9.999999770e-03, v7  }
0x224: {  	_ =	sdelay $0x2  }
0x225: {  	v5 =	vadd.f32 v6, v5;
	_ =	sdelay $0x1  }
0x226: {  	s21 =	simm.s32 $0x0;
	s22 =	simm.s32 $0x0;
	v5 =	vmul.f32 $9.999999770e-03, v5  }
0x227: {  	[tilespmem:s19+$0x2A80] =	vst v7;
	s30 =	sand.u32 $0x70, s22;
	s21 =	sand.u32 $0x3C00, s21  }
0x228: {  	s19 =	sor.u32 s21, s30;
	[tilespmem:s20+$0x2A80] =	vst v5  }
0x229: {  	v5 =	vld [tilespmem:s19+$0x2B00]  }
0x22a: {  	v6 =	vld [tilespmem:s19+$0xAB00];
	_ =	sdelay $0x2  }
0x22b: {  	s22 =	simm.s32 $0x80;
	s20 =	simm.s32 $0x10  }
0x22c: {  	s23 =	sand.u32 $0x3C00, s22;
	s31 =	sand.u32 $0x70, s20  }
0x22d: {  	s21 =	sor.u32 s23, s31;
	v7 =	vadd.f32 v6, v5  }
0x22e: {  	v5 =	vld [tilespmem:s21+$0x2B00]  }
0x22f: {  	s23 =	smov.u32 s19;
	v6 =	vld [tilespmem:s21+$0xAB00];
	v7 =	vmul.f32 $9.999999770e-03, v7  }
.LBB2_67:
0x230: {  	s20 =	sadd.s32 $0x10, s20  }
0x231: {  	s22 =	sadd.s32 $0x80, s22;
	p0 =	slt.u32 s20, $0x7F0  }
.Ltmp45:
0x232: {  	s24 =	sand.u32 $0x70, s20;
	s25 =	sand.u32 $0x3C00, s22;
	[tilespmem:s23+$0x2B00] =	vst v7;
	(pc) =	sbr.rel @p0 .LBB2_67-.Ltmp45, $4  }
0x233: {  	s23 =	smov.u32 s21;
	s21 =	sor.u32 s25, s24  }
0x234: {  	v7 =	vadd.f32 v6, v5;
	v5 =	vld [tilespmem:s21+$0x2B00]  }
0x235: {  	v6 =	vld [tilespmem:s21+$0xAB00]  }
0x236: {  	v7 =	vmul.f32 $9.999999770e-03, v7  }
0x237: {  	_ =	sdelay $0x2  }
0x238: {  	v5 =	vadd.f32 v6, v5;
	_ =	sdelay $0x1  }
0x239: {  	v5 =	vmul.f32 $9.999999770e-03, v5  }
0x23a: {  	[tilespmem:s23+$0x2B00] =	vst v7  }
0x23b: {  	[tilespmem:s21+$0x2B00] =	vst v5  }
0x23c: {  	v5 =	vld [tilespmem:s19+$0x2B80]  }
0x23d: {  	v6 =	vld [tilespmem:s19+$0xAB80];
	_ =	sdelay $0x2  }
0x23e: {  	s22 =	simm.s32 $0x80;
	s21 =	simm.s32 $0x10  }
0x23f: {  	s31 =	sand.u32 $0x3C00, s22;
	s20 =	sand.u32 $0x70, s21  }
0x240: {  	s20 =	sor.u32 s31, s20;
	v7 =	vadd.f32 v6, v5  }
0x241: {  	v5 =	vld [tilespmem:s20+$0x2B80]  }
0x242: {  	v6 =	vld [tilespmem:s20+$0xAB80];
	v7 =	vmul.f32 $9.999999770e-03, v7  }
.LBB2_69:
0x243: {  	s21 =	sadd.s32 $0x10, s21  }
0x244: {  	s22 =	sadd.s32 $0x80, s22;
	p0 =	slt.u32 s21, $0x7F0  }
.Ltmp46:
0x245: {  	s23 =	sand.u32 $0x70, s21;
	s24 =	sand.u32 $0x3C00, s22;
	[tilespmem:s19+$0x2B80] =	vst v7;
	(pc) =	sbr.rel @p0 .LBB2_69-.Ltmp46, $4  }
0x246: {  	s19 =	smov.u32 s20;
	s20 =	sor.u32 s24, s23  }
0x247: {  	v7 =	vadd.f32 v6, v5;
	v5 =	vld [tilespmem:s20+$0x2B80]  }
0x248: {  	v6 =	vld [tilespmem:s20+$0xAB80]  }
0x249: {  	v7 =	vmul.f32 $9.999999770e-03, v7  }
0x24a: {  	_ =	sdelay $0x2  }
0x24b: {  	v5 =	vadd.f32 v6, v5;
	_ =	sdelay $0x1  }
0x24c: {  	s21 =	simm.s32 $0x0;
	s22 =	simm.s32 $0x0;
	v5 =	vmul.f32 $9.999999770e-03, v5  }
0x24d: {  	[tilespmem:s19+$0x2B80] =	vst v7;
	s30 =	sand.u32 $0x70, s22;
	s21 =	sand.u32 $0x3C00, s21  }
0x24e: {  	s19 =	sor.u32 s21, s30;
	[tilespmem:s20+$0x2B80] =	vst v5  }
0x24f: {  	v5 =	vld [tilespmem:s19+$0x2C00]  }
0x250: {  	v6 =	vld [tilespmem:s19+$0xAC00];
	_ =	sdelay $0x2  }
0x251: {  	s22 =	simm.s32 $0x80;
	s20 =	simm.s32 $0x10  }
0x252: {  	s23 =	sand.u32 $0x3C00, s22;
	s31 =	sand.u32 $0x70, s20  }
0x253: {  	s21 =	sor.u32 s23, s31;
	v7 =	vadd.f32 v6, v5  }
0x254: {  	v5 =	vld [tilespmem:s21+$0x2C00]  }
0x255: {  	s23 =	smov.u32 s19;
	v6 =	vld [tilespmem:s21+$0xAC00];
	v7 =	vmul.f32 $9.999999770e-03, v7  }
.LBB2_71:
0x256: {  	s20 =	sadd.s32 $0x10, s20  }
0x257: {  	s22 =	sadd.s32 $0x80, s22;
	p0 =	slt.u32 s20, $0x7F0  }
.Ltmp47:
0x258: {  	s24 =	sand.u32 $0x70, s20;
	s25 =	sand.u32 $0x3C00, s22;
	[tilespmem:s23+$0x2C00] =	vst v7;
	(pc) =	sbr.rel @p0 .LBB2_71-.Ltmp47, $4  }
0x259: {  	s23 =	smov.u32 s21;
	s21 =	sor.u32 s25, s24  }
0x25a: {  	v7 =	vadd.f32 v6, v5;
	v5 =	vld [tilespmem:s21+$0x2C00]  }
0x25b: {  	v6 =	vld [tilespmem:s21+$0xAC00]  }
0x25c: {  	v7 =	vmul.f32 $9.999999770e-03, v7  }
0x25d: {  	_ =	sdelay $0x2  }
0x25e: {  	v5 =	vadd.f32 v6, v5;
	_ =	sdelay $0x1  }
0x25f: {  	v5 =	vmul.f32 $9.999999770e-03, v5  }
0x260: {  	[tilespmem:s23+$0x2C00] =	vst v7  }
0x261: {  	[tilespmem:s21+$0x2C00] =	vst v5  }
0x262: {  	v5 =	vld [tilespmem:s19+$0x2C80]  }
0x263: {  	v6 =	vld [tilespmem:s19+$0xAC80];
	_ =	sdelay $0x2  }
0x264: {  	s20 =	simm.s32 $0x10;
	s22 =	simm.s32 $0x80  }
0x265: {  	s30 =	sand.u32 $0x70, s20;
	s31 =	sand.u32 $0x3C00, s22  }
0x266: {  	s21 =	sor.u32 s31, s30;
	v7 =	vadd.f32 v6, v5  }
0x267: {  	v5 =	vld [tilespmem:s21+$0x2C80]  }
0x268: {  	v6 =	vld [tilespmem:s21+$0xAC80];
	v7 =	vmul.f32 $9.999999770e-03, v7  }
.LBB2_73:
0x269: {  	s20 =	sadd.s32 $0x10, s20  }
0x26a: {  	s22 =	sadd.s32 $0x80, s22;
	p0 =	slt.u32 s20, $0x7F0  }
.Ltmp48:
0x26b: {  	s23 =	sand.u32 $0x70, s20;
	s24 =	sand.u32 $0x3C00, s22;
	[tilespmem:s19+$0x2C80] =	vst v7;
	(pc) =	sbr.rel @p0 .LBB2_73-.Ltmp48, $4  }
0x26c: {  	s19 =	smov.u32 s21;
	s21 =	sor.u32 s24, s23  }
0x26d: {  	v7 =	vadd.f32 v6, v5;
	v5 =	vld [tilespmem:s21+$0x2C80]  }
0x26e: {  	v6 =	vld [tilespmem:s21+$0xAC80]  }
0x26f: {  	v7 =	vmul.f32 $9.999999770e-03, v7  }
0x270: {  	_ =	sdelay $0x2  }
0x271: {  	v5 =	vadd.f32 v6, v5;
	_ =	sdelay $0x1  }
0x272: {  	s20 =	simm.s32 $0x0;
	s22 =	simm.s32 $0x0;
	v5 =	vmul.f32 $9.999999770e-03, v5  }
0x273: {  	[tilespmem:s19+$0x2C80] =	vst v7;
	s29 =	sand.u32 $0x70, s22;
	s30 =	sand.u32 $0x3C00, s20  }
0x274: {  	s19 =	sor.u32 s30, s29;
	[tilespmem:s21+$0x2C80] =	vst v5  }
0x275: {  	v5 =	vld [tilespmem:s19+$0x2D00]  }
0x276: {  	v6 =	vld [tilespmem:s19+$0xAD00];
	_ =	sdelay $0x2  }
0x277: {  	s23 =	simm.s32 $0x80;
	s22 =	simm.s32 $0x10  }
0x278: {  	s24 =	sand.u32 $0x3C00, s23;
	s31 =	sand.u32 $0x70, s22  }
0x279: {  	s21 =	sor.u32 s24, s31;
	v7 =	vadd.f32 v6, v5  }
0x27a: {  	v5 =	vld [tilespmem:s21+$0x2D00]  }
0x27b: {  	v6 =	vld [tilespmem:s21+$0xAD00];
	v7 =	vmul.f32 $9.999999770e-03, v7  }
.LBB2_75:
0x27c: {  	s22 =	sadd.s32 $0x10, s22  }
0x27d: {  	s23 =	sadd.s32 $0x80, s23;
	p0 =	slt.u32 s22, $0x7F0  }
.Ltmp49:
0x27e: {  	s24 =	sand.u32 $0x70, s22;
	s25 =	sand.u32 $0x3C00, s23;
	[tilespmem:s19+$0x2D00] =	vst v7;
	(pc) =	sbr.rel @p0 .LBB2_75-.Ltmp49, $4  }
0x27f: {  	s19 =	smov.u32 s21;
	s21 =	sor.u32 s25, s24  }
0x280: {  	v7 =	vadd.f32 v6, v5;
	v5 =	vld [tilespmem:s21+$0x2D00]  }
0x281: {  	v6 =	vld [tilespmem:s21+$0xAD00]  }
0x282: {  	v7 =	vmul.f32 $9.999999770e-03, v7  }
0x283: {  	_ =	sdelay $0x2  }
0x284: {  	v5 =	vadd.f32 v6, v5  }
0x285: {  	s20 =	sand.u32 $0x7, s20  }
0x286: {  	s20 =	sshll.u32 s20, $0x4;
	v5 =	vmul.f32 $9.999999770e-03, v5  }
0x287: {  	[tilespmem:s19+$0x2D00] =	vst v7;
	s30 =	sadd.s32 $0x0, s20  }
0x288: {  	s19 =	sor.u32 $0x380, s30;
	[tilespmem:s21+$0x2D00] =	vst v5  }
0x289: {  	v5 =	vld [tilespmem:s19+$0x2A00]  }
0x28a: {  	v6 =	vld [tilespmem:s19+$0xAA00]  }
0x28b: {  	s31 =	simm.s32 $0x1  }
0x28c: {  	s20 =	sand.u32 $0x7, s31  }
0x28d: {  	s20 =	sshll.u32 s20, $0x4  }
0x28e: {  	s20 =	sadd.s32 $0x80, s20  }
0x28f: {  	s20 =	sor.u32 $0x380, s20;
	v7 =	vadd.f32 v6, v5  }
0x290: {  	s22 =	simm.s32 $0x2;
	v5 =	vld [tilespmem:s20+$0x2A00]  }
0x291: {  	s23 =	simm.s32 $0x20;
	s24 =	sand.u32 $0x7, s22;
	s21 =	simm.s32 $0x80;
	v6 =	vld [tilespmem:s20+$0xAA00];
	v7 =	vmul.f32 $9.999999770e-03, v7  }
.LBB2_77:
0x292: {  	s23 =	sadd.s32 $0x10, s23  }
0x293: {  	s24 =	sshll.u32 s24, $0x4;
	s21 =	sadd.s32 $0x80, s21;
	p0 =	slt.u32 s23, $0x7F0  }
.Ltmp50:
0x294: {  	s24 =	sadd.s32 s24, s21;
	[tilespmem:s19+$0x2A00] =	vst v7;
	(pc) =	sbr.rel @p0 .LBB2_77-.Ltmp50, $4  }
0x295: {  	s19 =	smov.u32 s20;
	s20 =	sor.u32 $0x380, s24  }
0x296: {  	v7 =	vadd.f32 v6, v5;
	v5 =	vld [tilespmem:s20+$0x2A00]  }
0x297: {  	s22 =	sadd.s32 $0x1, s22;
	v6 =	vld [tilespmem:s20+$0xAA00]  }
0x298: {  	s24 =	sand.u32 $0x7, s22;
	v7 =	vmul.f32 $9.999999770e-03, v7  }
0x299: {  	s22 =	sshll.u32 s24, $0x4;
	s21 =	sadd.s32 $0x80, s21  }
0x29a: {  	s21 =	sadd.s32 s22, s21  }
0x29b: {  	s21 =	sor.u32 $0x380, s21  }
0x29c: {  	v8 =	vld [tilespmem:s21+$0x2A00]  }
0x29d: {  	v9 =	vld [tilespmem:s21+$0xAA00];
	_ =	sdelay $0x3  }
0x29e: {  	v5 =	vadd.f32 v6, v5  }
0x29f: {  	v6 =	vadd.f32 v9, v8  }
0x2a0: {  	p2 =	por $0x1, $0x1;
	v5 =	vmul.f32 $9.999999770e-03, v5  }
.Ltmp51:
0x2a1: {  	s29 =	simm.s32 $0x0;
	s30 =	simm.s32 $0x0;
	[tilespmem:s19+$0x2A00] =	vst v7;
	v6 =	vmul.f32 $9.999999770e-03, v6;
	(pc) =	sbr.rel @!p2 .LBB2_79-.Ltmp51, $4  }
0x2a2: {  	s31 =	sand.u32 $0x70, s30;
	s19 =	sand.u32 $0x3C00, s29;
	[tilespmem:s20+$0x2A00] =	vst v5  }
0x2a3: {  	s19 =	sor.u32 s19, s31;
	[tilespmem:s21+$0x2A00] =	vst v6  }
0x2a4: {  	v6 =	vld [tilespmem:s19+$0x6A00]  }
0x2a5: {  	p1 =	por $0x0, $0x0;
	s20 =	simm.s32 $0x80;
	v5 =	vld [tilespmem:s19+$0xEA00]  }
0x2a6: {  	_ = 	snop  }
0x2a7: {  	p0 =	por $0x1, $0x1  }
.Ltmp52:
0x2a8: {  	s22 =	simm.s32 $0x10;
	s23 =	simm.s32 $0x80;
	(pc) =	sbr.rel @!p0 .LBB2_81-.Ltmp52, $4  }
0x2a9: {  	s21 =	sand.u32 $0x70, s22;
	s24 =	sand.u32 $0x3C00, s23  }
0x2aa: {  	s21 =	sor.u32 s24, s21;
	v7 =	vadd.f32 v5, v6  }
0x2ab: {  	v6 =	vld [tilespmem:s21+$0x6A00]  }
0x2ac: {  	p3 =	por $0x1, $0x1;
	s24 =	smov.u32 s19;
	v5 =	vld [tilespmem:s21+$0xEA00];
	v7 =	vmul.f32 $9.999999770e-03, v7  }
.LBB2_82:
0x2ad: {  	s22 =	sadd.s32 $0x10, s22  }
0x2ae: {  	s23 =	sadd.s32 $0x80, s23;
	p0 =	slt.u32 s22, $0x7F0  }
.Ltmp53:
0x2af: {  	s25 =	sand.u32 $0x70, s22;
	s26 =	sand.u32 $0x3C00, s23;
	[tilespmem:s24+$0x6A00] =	vst v7;
	(pc) =	sbr.rel @p0 .LBB2_82-.Ltmp53, $4  }
0x2b0: {  	s24 =	smov.u32 s21;
	s21 =	sor.u32 s26, s25  }
0x2b1: {  	v7 =	vadd.f32 v5, v6;
	v6 =	vld [tilespmem:s21+$0x6A00]  }
0x2b2: {  	v5 =	vld [tilespmem:s21+$0xEA00]  }
0x2b3: {  	v7 =	vmul.f32 $9.999999770e-03, v7  }
.LBB2_83:
0x2b4: {  	_ =	sdelay $0x2  }
0x2b5: {  	v5 =	vadd.f32 v5, v6;
	_ =	sdelay $0x1  }
.Ltmp54:
0x2b6: {  	v5 =	vmul.f32 $9.999999770e-03, v5;
	(pc) =	sbr.rel @!p2 .LBB2_84-.Ltmp54, $4  }
0x2b7: {  	[tilespmem:s24+$0x6A00] =	vst @p3 v7  }
0x2b8: {  	[tilespmem:s21+$0x6A00] =	vst v5  }
0x2b9: {  	v6 =	vld [tilespmem:s19+$0x6A80]  }
0x2ba: {  	v5 =	vld [tilespmem:s19+$0xEA80]  }
0x2bb: {  	_ = 	snop  }
0x2bc: {  	p0 =	por $0x1, $0x1  }
.Ltmp55:
0x2bd: {  	s22 =	simm.s32 $0x10;
	(pc) =	sbr.rel @!p0 .LBB2_86-.Ltmp55, $4  }
0x2be: {  	s23 =	sand.u32 $0x3C00, s20;
	s21 =	sand.u32 $0x70, s22  }
0x2bf: {  	s21 =	sor.u32 s23, s21;
	v7 =	vadd.f32 v5, v6  }
0x2c0: {  	v6 =	vld [tilespmem:s21+$0x6A80]  }
0x2c1: {  	p1 =	por $0x1, $0x1;
	v5 =	vld [tilespmem:s21+$0xEA80];
	v7 =	vmul.f32 $9.999999770e-03, v7  }
.LBB2_87:
0x2c2: {  	s22 =	sadd.s32 $0x10, s22  }
0x2c3: {  	s20 =	sadd.s32 $0x80, s20;
	p0 =	slt.u32 s22, $0x7F0  }
.Ltmp56:
0x2c4: {  	s23 =	sand.u32 $0x70, s22;
	s24 =	sand.u32 $0x3C00, s20;
	[tilespmem:s19+$0x6A80] =	vst v7;
	(pc) =	sbr.rel @p0 .LBB2_87-.Ltmp56, $4  }
0x2c5: {  	s19 =	smov.u32 s21;
	s21 =	sor.u32 s24, s23  }
0x2c6: {  	v7 =	vadd.f32 v5, v6;
	v6 =	vld [tilespmem:s21+$0x6A80]  }
0x2c7: {  	v5 =	vld [tilespmem:s21+$0xEA80]  }
0x2c8: {  	v7 =	vmul.f32 $9.999999770e-03, v7  }
0x2c9: {  	s20 =	smov.u32 s19;
	s19 =	smov.u32 s21  }
.LBB2_89:
0x2ca: {  	_ =	sdelay $0x1  }
0x2cb: {  	v5 =	vadd.f32 v5, v6;
	_ =	sdelay $0x1  }
0x2cc: {  	s21 =	simm.s32 $0x0;
	s22 =	simm.s32 $0x0;
	v5 =	vmul.f32 $9.999999770e-03, v5  }
0x2cd: {  	[tilespmem:s20+$0x6A80] =	vst @p1 v7;
	s30 =	sand.u32 $0x70, s22;
	s21 =	sand.u32 $0x3C00, s21  }
0x2ce: {  	[tilespmem:s19+$0x6A80] =	vst v5;
	s19 =	sor.u32 s21, s30  }
0x2cf: {  	v5 =	vld [tilespmem:s19+$0x6B00]  }
0x2d0: {  	v6 =	vld [tilespmem:s19+$0xEB00];
	_ =	sdelay $0x2  }
0x2d1: {  	s20 =	simm.s32 $0x10;
	s22 =	simm.s32 $0x80  }
0x2d2: {  	s31 =	sand.u32 $0x70, s20;
	s23 =	sand.u32 $0x3C00, s22  }
0x2d3: {  	s21 =	sor.u32 s23, s31;
	v7 =	vadd.f32 v6, v5  }
0x2d4: {  	v5 =	vld [tilespmem:s21+$0x6B00]  }
0x2d5: {  	s23 =	smov.u32 s19;
	v6 =	vld [tilespmem:s21+$0xEB00];
	v7 =	vmul.f32 $9.999999770e-03, v7  }
.LBB2_90:
0x2d6: {  	s20 =	sadd.s32 $0x10, s20  }
0x2d7: {  	s22 =	sadd.s32 $0x80, s22;
	p0 =	slt.u32 s20, $0x7F0  }
.Ltmp57:
0x2d8: {  	s24 =	sand.u32 $0x70, s20;
	s25 =	sand.u32 $0x3C00, s22;
	[tilespmem:s23+$0x6B00] =	vst v7;
	(pc) =	sbr.rel @p0 .LBB2_90-.Ltmp57, $4  }
0x2d9: {  	s23 =	smov.u32 s21;
	s21 =	sor.u32 s25, s24  }
0x2da: {  	v7 =	vadd.f32 v6, v5;
	v5 =	vld [tilespmem:s21+$0x6B00]  }
0x2db: {  	v6 =	vld [tilespmem:s21+$0xEB00]  }
0x2dc: {  	v7 =	vmul.f32 $9.999999770e-03, v7  }
0x2dd: {  	_ =	sdelay $0x2  }
0x2de: {  	v5 =	vadd.f32 v6, v5;
	_ =	sdelay $0x1  }
0x2df: {  	v5 =	vmul.f32 $9.999999770e-03, v5  }
0x2e0: {  	[tilespmem:s23+$0x6B00] =	vst v7  }
0x2e1: {  	[tilespmem:s21+$0x6B00] =	vst v5  }
0x2e2: {  	v5 =	vld [tilespmem:s19+$0x6B80]  }
0x2e3: {  	v6 =	vld [tilespmem:s19+$0xEB80];
	_ =	sdelay $0x2  }
0x2e4: {  	s22 =	simm.s32 $0x80;
	s21 =	simm.s32 $0x10  }
0x2e5: {  	s31 =	sand.u32 $0x3C00, s22;
	s20 =	sand.u32 $0x70, s21  }
0x2e6: {  	s20 =	sor.u32 s31, s20;
	v7 =	vadd.f32 v6, v5  }
0x2e7: {  	v5 =	vld [tilespmem:s20+$0x6B80]  }
0x2e8: {  	v6 =	vld [tilespmem:s20+$0xEB80];
	v7 =	vmul.f32 $9.999999770e-03, v7  }
.LBB2_92:
0x2e9: {  	s21 =	sadd.s32 $0x10, s21  }
0x2ea: {  	s22 =	sadd.s32 $0x80, s22;
	p0 =	slt.u32 s21, $0x7F0  }
.Ltmp58:
0x2eb: {  	s23 =	sand.u32 $0x70, s21;
	s24 =	sand.u32 $0x3C00, s22;
	[tilespmem:s19+$0x6B80] =	vst v7;
	(pc) =	sbr.rel @p0 .LBB2_92-.Ltmp58, $4  }
0x2ec: {  	s19 =	smov.u32 s20;
	s20 =	sor.u32 s24, s23  }
0x2ed: {  	v7 =	vadd.f32 v6, v5;
	v5 =	vld [tilespmem:s20+$0x6B80]  }
0x2ee: {  	v6 =	vld [tilespmem:s20+$0xEB80]  }
0x2ef: {  	v7 =	vmul.f32 $9.999999770e-03, v7  }
0x2f0: {  	_ =	sdelay $0x2  }
0x2f1: {  	v5 =	vadd.f32 v6, v5;
	_ =	sdelay $0x1  }
0x2f2: {  	s21 =	simm.s32 $0x0;
	s22 =	simm.s32 $0x0;
	v5 =	vmul.f32 $9.999999770e-03, v5  }
0x2f3: {  	[tilespmem:s19+$0x6B80] =	vst v7;
	s30 =	sand.u32 $0x70, s22;
	s21 =	sand.u32 $0x3C00, s21  }
0x2f4: {  	s19 =	sor.u32 s21, s30;
	[tilespmem:s20+$0x6B80] =	vst v5  }
0x2f5: {  	v5 =	vld [tilespmem:s19+$0x6C00]  }
0x2f6: {  	v6 =	vld [tilespmem:s19+$0xEC00];
	_ =	sdelay $0x2  }
0x2f7: {  	s22 =	simm.s32 $0x80;
	s20 =	simm.s32 $0x10  }
0x2f8: {  	s23 =	sand.u32 $0x3C00, s22;
	s31 =	sand.u32 $0x70, s20  }
0x2f9: {  	s21 =	sor.u32 s23, s31;
	v7 =	vadd.f32 v6, v5  }
0x2fa: {  	v5 =	vld [tilespmem:s21+$0x6C00]  }
0x2fb: {  	s23 =	smov.u32 s19;
	v6 =	vld [tilespmem:s21+$0xEC00];
	v7 =	vmul.f32 $9.999999770e-03, v7  }
.LBB2_94:
0x2fc: {  	s20 =	sadd.s32 $0x10, s20  }
0x2fd: {  	s22 =	sadd.s32 $0x80, s22;
	p0 =	slt.u32 s20, $0x7F0  }
.Ltmp59:
0x2fe: {  	s24 =	sand.u32 $0x70, s20;
	s25 =	sand.u32 $0x3C00, s22;
	[tilespmem:s23+$0x6C00] =	vst v7;
	(pc) =	sbr.rel @p0 .LBB2_94-.Ltmp59, $4  }
0x2ff: {  	s23 =	smov.u32 s21;
	s21 =	sor.u32 s25, s24  }
0x300: {  	v7 =	vadd.f32 v6, v5;
	v5 =	vld [tilespmem:s21+$0x6C00]  }
0x301: {  	v6 =	vld [tilespmem:s21+$0xEC00]  }
0x302: {  	v7 =	vmul.f32 $9.999999770e-03, v7  }
0x303: {  	_ =	sdelay $0x2  }
0x304: {  	v5 =	vadd.f32 v6, v5;
	_ =	sdelay $0x1  }
0x305: {  	v5 =	vmul.f32 $9.999999770e-03, v5  }
0x306: {  	[tilespmem:s23+$0x6C00] =	vst v7  }
0x307: {  	[tilespmem:s21+$0x6C00] =	vst v5  }
0x308: {  	v5 =	vld [tilespmem:s19+$0x6C80]  }
0x309: {  	v6 =	vld [tilespmem:s19+$0xEC80];
	_ =	sdelay $0x2  }
0x30a: {  	s20 =	simm.s32 $0x10;
	s22 =	simm.s32 $0x80  }
0x30b: {  	s30 =	sand.u32 $0x70, s20;
	s31 =	sand.u32 $0x3C00, s22  }
0x30c: {  	s21 =	sor.u32 s31, s30;
	v7 =	vadd.f32 v6, v5  }
0x30d: {  	v5 =	vld [tilespmem:s21+$0x6C80]  }
0x30e: {  	v6 =	vld [tilespmem:s21+$0xEC80];
	v7 =	vmul.f32 $9.999999770e-03, v7  }
.LBB2_96:
0x30f: {  	s20 =	sadd.s32 $0x10, s20  }
0x310: {  	s22 =	sadd.s32 $0x80, s22;
	p0 =	slt.u32 s20, $0x7F0  }
.Ltmp60:
0x311: {  	s23 =	sand.u32 $0x70, s20;
	s24 =	sand.u32 $0x3C00, s22;
	[tilespmem:s19+$0x6C80] =	vst v7;
	(pc) =	sbr.rel @p0 .LBB2_96-.Ltmp60, $4  }
0x312: {  	s19 =	smov.u32 s21;
	s21 =	sor.u32 s24, s23  }
0x313: {  	v7 =	vadd.f32 v6, v5;
	v5 =	vld [tilespmem:s21+$0x6C80]  }
0x314: {  	v6 =	vld [tilespmem:s21+$0xEC80]  }
0x315: {  	v7 =	vmul.f32 $9.999999770e-03, v7  }
0x316: {  	_ =	sdelay $0x2  }
0x317: {  	v5 =	vadd.f32 v6, v5;
	_ =	sdelay $0x1  }
0x318: {  	s20 =	simm.s32 $0x0;
	s22 =	simm.s32 $0x0;
	v5 =	vmul.f32 $9.999999770e-03, v5  }
0x319: {  	[tilespmem:s19+$0x6C80] =	vst v7;
	s29 =	sand.u32 $0x70, s22;
	s30 =	sand.u32 $0x3C00, s20  }
0x31a: {  	s19 =	sor.u32 s30, s29;
	[tilespmem:s21+$0x6C80] =	vst v5  }
0x31b: {  	v5 =	vld [tilespmem:s19+$0x6D00]  }
0x31c: {  	v6 =	vld [tilespmem:s19+$0xED00];
	_ =	sdelay $0x2  }
0x31d: {  	s23 =	simm.s32 $0x80;
	s22 =	simm.s32 $0x10  }
0x31e: {  	s24 =	sand.u32 $0x3C00, s23;
	s31 =	sand.u32 $0x70, s22  }
0x31f: {  	s21 =	sor.u32 s24, s31;
	v7 =	vadd.f32 v6, v5  }
0x320: {  	v5 =	vld [tilespmem:s21+$0x6D00]  }
0x321: {  	v6 =	vld [tilespmem:s21+$0xED00];
	v7 =	vmul.f32 $9.999999770e-03, v7  }
.LBB2_98:
0x322: {  	s22 =	sadd.s32 $0x10, s22  }
0x323: {  	s23 =	sadd.s32 $0x80, s23;
	p0 =	slt.u32 s22, $0x7F0  }
.Ltmp61:
0x324: {  	s24 =	sand.u32 $0x70, s22;
	s25 =	sand.u32 $0x3C00, s23;
	[tilespmem:s19+$0x6D00] =	vst v7;
	(pc) =	sbr.rel @p0 .LBB2_98-.Ltmp61, $4  }
0x325: {  	s19 =	smov.u32 s21;
	s21 =	sor.u32 s25, s24  }
0x326: {  	v7 =	vadd.f32 v6, v5;
	v5 =	vld [tilespmem:s21+$0x6D00]  }
0x327: {  	v6 =	vld [tilespmem:s21+$0xED00]  }
0x328: {  	v7 =	vmul.f32 $9.999999770e-03, v7  }
0x329: {  	_ =	sdelay $0x2  }
0x32a: {  	v5 =	vadd.f32 v6, v5  }
0x32b: {  	s20 =	sand.u32 $0x7, s20  }
0x32c: {  	s20 =	sshll.u32 s20, $0x4;
	v5 =	vmul.f32 $9.999999770e-03, v5  }
0x32d: {  	[tilespmem:s19+$0x6D00] =	vst v7;
	s30 =	sadd.s32 $0x0, s20  }
0x32e: {  	s19 =	sor.u32 $0x4380, s30;
	[tilespmem:s21+$0x6D00] =	vst v5  }
0x32f: {  	v5 =	vld [tilespmem:s19+$0x2A00]  }
0x330: {  	v6 =	vld [tilespmem:s19+$0xAA00]  }
0x331: {  	s31 =	simm.s32 $0x1  }
0x332: {  	s20 =	sand.u32 $0x7, s31  }
0x333: {  	s20 =	sshll.u32 s20, $0x4  }
0x334: {  	s20 =	sadd.s32 $0x80, s20  }
0x335: {  	s20 =	sor.u32 $0x4380, s20;
	v7 =	vadd.f32 v6, v5  }
0x336: {  	s22 =	simm.s32 $0x2;
	v5 =	vld [tilespmem:s20+$0x2A00]  }
0x337: {  	s23 =	simm.s32 $0x20;
	s24 =	sand.u32 $0x7, s22;
	s21 =	simm.s32 $0x80;
	v6 =	vld [tilespmem:s20+$0xAA00];
	v7 =	vmul.f32 $9.999999770e-03, v7  }
.LBB2_100:
0x338: {  	s23 =	sadd.s32 $0x10, s23  }
0x339: {  	s24 =	sshll.u32 s24, $0x4;
	s21 =	sadd.s32 $0x80, s21;
	p0 =	slt.u32 s23, $0x7F0  }
.Ltmp62:
0x33a: {  	s24 =	sadd.s32 s24, s21;
	[tilespmem:s19+$0x2A00] =	vst v7;
	(pc) =	sbr.rel @p0 .LBB2_100-.Ltmp62, $4  }
0x33b: {  	s19 =	smov.u32 s20;
	s20 =	sor.u32 $0x4380, s24  }
0x33c: {  	v7 =	vadd.f32 v6, v5;
	v5 =	vld [tilespmem:s20+$0x2A00]  }
0x33d: {  	s22 =	sadd.s32 $0x1, s22;
	v6 =	vld [tilespmem:s20+$0xAA00]  }
0x33e: {  	s24 =	sand.u32 $0x7, s22;
	v7 =	vmul.f32 $9.999999770e-03, v7  }
0x33f: {  	s22 =	sshll.u32 s24, $0x4;
	s21 =	sadd.s32 $0x80, s21  }
0x340: {  	s21 =	sadd.s32 s22, s21  }
0x341: {  	s21 =	sor.u32 $0x4380, s21  }
0x342: {  	v8 =	vld [tilespmem:s21+$0x2A00]  }
0x343: {  	v9 =	vld [tilespmem:s21+$0xAA00];
	_ =	sdelay $0x3  }
0x344: {  	v5 =	vadd.f32 v6, v5  }
0x345: {  	v6 =	vadd.f32 v9, v8  }
0x346: {  	v5 =	vmul.f32 $9.999999770e-03, v5  }
0x347: {  	[tilespmem:s19+$0x2A00] =	vst v7;
	v6 =	vmul.f32 $9.999999770e-03, v6  }
0x348: {  	[tilespmem:s20+$0x2A00] =	vst v5  }
.Ltmp63:
0x349: {  	[tilespmem:s21+$0x2A00] =	vst v6;
	(pc) =	sbr.rel .LBB2_102-.Ltmp63, $4  }
0x34a: {  	[hbm4b:s9+s2] =	stream.linear.scatter [tilespmem:s15], [sflag:$0x1], $0x8000, $0x38;
	[tilespmem:$0x16E00] =	vst v63  }
0x34b: {  	_ =	swait.ge [sflag:s12], $0x8000  }
0x34c: {  	[sflag:s12] =	ssyncset.done $0x0  }
0x34d: {  	[sflag:s12] =	ssyncadd.s32 $0xFFFF8000  }
.LBB2_79:
.Ltmp64:
0x34e: {  	(pc) =	sbr.rel .LBB2_83-.Ltmp64, $2  }
0x34f: {  	_ =	sdelay $0x2  }
0x350: {  	s21 =	smov.u32 s19;
	p3 =	por $0x0, $0x0  }
.LBB2_84:
.Ltmp65:
0x351: {  	(pc) =	sbr.rel .LBB2_89-.Ltmp65, $2  }
0x352: {  	_ =	sdelay $0x2  }
0x353: {  	_ = 	snop  }
.LBB2_81:
.Ltmp66:
0x354: {  	(pc) =	sbr.rel .LBB2_83-.Ltmp66, $2  }
0x355: {  	_ =	sdelay $0x2  }
0x356: {  	s24 =	smov.u32 s19  }
.LBB2_86:
.Ltmp67:
0x357: {  	(pc) =	sbr.rel .LBB2_89-.Ltmp67, $2  }
0x358: {  	_ =	sdelay $0x2  }
0x359: {  	s20 =	smov.u32 s19;
	s19 =	smov.u32 s21  }
.LBB2_103:
0x35a: {  	_ =	sfence.sel $0x180000  }
0x35b: {  	[bflag:$0x0] =	sbarrier.arrive $0xFFFF  }
0x35c: {  	p0 =	sne.s32 s0, $0x0;
	_ =	strace $0x90000047  }
0x35d: {  	s0 =	sadd.s32 @!p0 $0x100000, s1;
	[bflag:$0x2] =	sbarrier.arrive $0xFFFF  }
0x35e: {  	[sflag:s0] =	ssyncadd.tile.s32 @!p0 $0x1;
	_ =	shalt  }
.Lfunc_end2:
_tile_overlayer_lowered:
.L_overlay_start_2:
0x35f: {  	(tag) =	ssettag $0x2  }
0x360: {  	s0 =	rddreg [dreg:$0x0];
	s2 =	stileid.u32  }
0x361: {  	s1 =	rddreg [dreg:$0x1];
	p0 =	sne.s32 s2, $0x0  }
0x362: {  	s3 =	rddreg [dreg:$0x2];
	[bflag:$0x3] =	sbarrier.arrive $0xFFFF;
	s2 =	simm.s32 @!p0 $0x1C01  }
0x363: {  	[timem:s3], [sflag:s2] =	dma.local @!p0 [hbm:s0], s1  }
0x364: {  	s0 =	simm.s32 @!p0 $0x1  }
0x365: {  	_ =	swait.ge @!p0 [sflag:s0], s1  }
0x366: {  	s1 =	ssub.s32 @!p0 $0x0, s1;
	[sflag:s0] =	ssyncset.done @!p0 $0x0  }
0x367: {  	[sflag:s0] =	ssyncadd.s32 @!p0 s1  }
0x368: {  	[bflag:$0x3] =	sbarrier.arrive $0xFFFF  }
0x369: {  	_ =	shalt  }

</sc_bundles>
